<compile_context>
chip_gen: v7x
topology: tpu7x:2x2x1
jax: 0.10.2.dev20260603
libtpu: 0.0.44.dev20260713+nightly
codegen_flags: <defaults>
</compile_context>

<pallas_src>
import jax
import jax.numpy as jnp
from jax import lax
from jax.experimental import pallas as pl
from jax.experimental.pallas import tpu as pltpu
from jax.experimental.pallas import tpu_sc as plsc

_NC = 2
_NS = 16
_NW = _NC * _NS
_L = 16


def _seg_pos_sc(n):
    blk = 7680
    tpb = blk // 128
    nfull = n // blk
    rem = n - nfull * blk
    p = (n + 127) // 128
    h = _L
    assert rem % _L == 0 and (nfull + bool(rem)) <= 9 * _NW
    remw = nfull % _NW
    tot = -(-nfull // _NW)
    rtiles = -(-rem // 128)

    mesh = plsc.VectorSubcoreMesh(core_axis_name="c", subcore_axis_name="s",
                                  num_cores=_NC, num_subcores=_NS)

    def body(ids_hbm, mp_hbm, out_hbm, in_v0, in_v1, out_v0, out_v1, mp_v,
             in_sem0, in_sem1, out_sem0, out_sem1):
        in_bufs = (in_v0, in_v1)
        out_bufs = (out_v0, out_v1)
        in_sems = (in_sem0, in_sem1)
        out_sems = (out_sem0, out_sem1)
        wid = lax.axis_index("s") * _NC + lax.axis_index("c")
        nblk = jnp.where(wid < remw, tot, tot - 1)
        iota = lax.iota(jnp.int32, _L)

        def bk(k):
            return wid + k * _NW

        def in_desc(k, b):
            return pltpu.make_async_copy(
                ids_hbm.at[pl.ds(bk(k) * blk - h, blk + h)],
                in_bufs[b], in_sems[b])

        def in_desc0(b):
            return pltpu.make_async_copy(
                ids_hbm.at[pl.ds(0, blk)],
                in_bufs[b].at[pl.ds(h, blk)], in_sems[b])

        def start_in(k, b, start=True):
            if k == 0:
                @pl.when(wid == 0)
                def _():
                    d = in_desc0(b)
                    d.start() if start else d.wait()

                @pl.when(wid > 0)
                def _():
                    d = in_desc(k, b)
                    d.start() if start else d.wait()
            else:
                d = in_desc(k, b)
                d.start() if start else d.wait()

        def out_desc(k, b):
            return pltpu.make_async_copy(
                out_bufs[b],
                out_hbm.at[pl.ds(bk(k) * tpb, tpb), :, :], out_sems[b])

        def compute(b, nv, gbase):
            inb = in_bufs[b]
            outb = out_bufs[b]

            @plsc.parallel_loop(0, nv, 1, unroll=4)
            def _(i):
                e = i * _L
                cur = inb[pl.ds(e + h, _L)]
                prev = plsc.load_gather(inb, [iota + (e + h - 1)])
                gi = iota + (gbase + e)
                d0 = jnp.where((cur != prev) | (gi == 0), 1, 0).astype(jnp.int32)
                d1 = jnp.where(cur == 0, 1, 0).astype(jnp.int32)
                d2 = jnp.where((cur > 0) & (cur < mp), 1, 0).astype(jnp.int32)
                d3 = jnp.where(cur == mp, 1, 0).astype(jnp.int32)
                t = i >> 3
                l0 = (i & 7) * _L
                outb[t, 0, pl.ds(l0, _L)] = d0
                outb[t, 1, pl.ds(l0, _L)] = d1
                outb[t, 2, pl.ds(l0, _L)] = d2
                outb[t, 3, pl.ds(l0, _L)] = d3

        if rem:
            rem_in = pltpu.make_async_copy(
                ids_hbm.at[pl.ds(nfull * blk - h, rem + h)],
                in_bufs[0].at[pl.ds(0, rem + h)], in_sems[0])
            rem_out = pltpu.make_async_copy(
                out_bufs[0].at[pl.ds(0, rtiles), :, :],
                out_hbm.at[pl.ds(nfull * tpb, rtiles), :, :], out_sems[0])

        start_in(0, 0)
        start_in(1, 1)
        pltpu.sync_copy(mp_hbm, mp_v)
        mp = mp_v[...]
        for k in range(tot):
            b = k & 1

            @pl.when(k < nblk)
            def _(k=k, b=b):
                start_in(k, b, start=False)
                if k >= 2:
                    out_desc(k - 2, b).wait()
                compute(b, blk // _L, bk(k) * blk)
                out_desc(k, b).start()

                @pl.when(k + 2 < nblk)
                def _():
                    start_in(k + 2, b)

                if rem and k == tot - 3:
                    @pl.when(wid == remw)
                    def _():
                        rem_in.start()

        if rem:
            @pl.when(wid == remw)
            def _():
                rem_in.wait()
                out_desc(tot - 3, 0).wait()
                compute(0, rem // _L, nfull * blk)
                rem_out.start()
                rem_out.wait()

        @pl.when(wid < remw)
        def _():
            out_desc(tot - 1, (tot - 1) & 1).wait()

        @pl.when(wid > remw)
        def _():
            out_desc(tot - 3, (tot - 3) & 1).wait()
        out_desc(tot - 2, (tot - 2) & 1).wait()

    grid_kernel = pl.kernel(
        body,
        out_type=jax.ShapeDtypeStruct((p, 4, 128), jnp.int32),
        mesh=mesh,
        compiler_params=pltpu.CompilerParams(needs_layout_passes=False,
                                             use_tc_tiling_on_sc=False),
        scratch_types=[
            pltpu.VMEM((blk + h,), jnp.int32),
            pltpu.VMEM((blk + h,), jnp.int32),
            pltpu.VMEM((tpb, 4, 128), jnp.int32),
            pltpu.VMEM((tpb, 4, 128), jnp.int32),
            pltpu.VMEM((_L,), jnp.int32),
            pltpu.SemaphoreType.DMA,
            pltpu.SemaphoreType.DMA,
            pltpu.SemaphoreType.DMA,
            pltpu.SemaphoreType.DMA,
        ],
    )
    return grid_kernel


def kernel(paragraph_doc_ids, max_paragraphs):
    n = paragraph_doc_ids.shape[0]
    p = (n + 127) // 128
    ids32 = paragraph_doc_ids.astype(jnp.int32)
    mp_vec = jnp.full((_L,), jnp.asarray(max_paragraphs, jnp.int32) - 1)
    o3 = _seg_pos_sc(n)(ids32, mp_vec)
    vec = o3.transpose(0, 2, 1).reshape(p * 128, 4)[:n]
    return vec.astype(jnp.int64)

# --- scband reference (transcript-rebuilt; emitter-appended) ---
"""Pipeline reference for scband-seg-pos-30631706755078 (READ-ONLY COPY).

The authoritative reference and input builder live on the scoring server;
editing this copy changes nothing except your own understanding.
"""

import jax, jax.numpy as jnp
import numpy as np


def setup_inputs(seed: int = 0) -> dict:
    key = jax.random.key(seed)
    N = 1000000
    max_paragraphs = 1000
    paragraph_doc_ids = jnp.sort(
        jax.random.randint(key, (N,), 0, max_paragraphs).astype(jnp.int64)
    )
    return {
        "paragraph_doc_ids": paragraph_doc_ids,
        "max_paragraphs": max_paragraphs,
    }


def reference(paragraph_doc_ids, max_paragraphs):
    ids = paragraph_doc_ids
    # dim0: first segment in a paragraph. The torch code computes this via
    # unique_consecutive counts + exclusive cumsum and scatters 1s at those
    # offsets; the equivalent math is a boundary mask on the sorted id stream.
    first = jnp.concatenate(
        [jnp.ones((1,), dtype=bool), ids[1:] != ids[:-1]]
    )
    mp = max_paragraphs - 1  # torch code does max_paragraphs -= 1
    d0 = first.astype(jnp.float32)
    d1 = (ids == 0).astype(jnp.float32)                 # opening paragraph
    d2 = ((ids > 0) & (ids < mp)).astype(jnp.float32)   # body paragraphs
    d3 = (ids == mp).astype(jnp.float32)                # closing paragraph
    vec = jnp.stack([d0, d1, d2, d3], axis=1)
    return vec.astype(jnp.int64)

if __name__ == "__main__":
    import jax
    _d = setup_inputs()
    print(jax.jit(kernel)(*tuple(_d.values())))

</pallas_src>

<mosaic_0001>
#map = affine_map<(d0, d1) -> (0)>
#map1 = affine_map<(d0, d1) -> (0, 0, 0)>
module attributes {stable_mosaic.version = 14 : i64} {
  func.func @body(%arg0: i32, %arg1: i32, %arg2: memref<1000000xi32, #tpu.memory_space<hbm>>, %arg3: memref<16xi32, #tpu.memory_space<hbm>>, %arg4: memref<7813x4x128xi32, #tpu.memory_space<hbm>>, %arg5: memref<7696xi32, #tpu.memory_space<vmem>>, %arg6: memref<7696xi32, #tpu.memory_space<vmem>>, %arg7: memref<60x4x128xi32, #tpu.memory_space<vmem>>, %arg8: memref<60x4x128xi32, #tpu.memory_space<vmem>>, %arg9: memref<16xi32, #tpu.memory_space<vmem>>, %arg10: memref<!tpu.dma_semaphore, #tpu.memory_space<semaphore_mem>>, %arg11: memref<!tpu.dma_semaphore, #tpu.memory_space<semaphore_mem>>, %arg12: memref<!tpu.dma_semaphore, #tpu.memory_space<semaphore_mem>>, %arg13: memref<!tpu.dma_semaphore, #tpu.memory_space<semaphore_mem>>) attributes {dimension_semantics = [#tpu.dimension_semantics<core_parallel>, #tpu.dimension_semantics<subcore_parallel>], iteration_bounds = array<i64: 2, 16>, scalar_prefetch = 0 : i64, scratch_operands = 9 : i64, tpu.core_type = #tpu.core_type<sc_vector_subcore>, window_params = [{transform_indices = #map}, {transform_indices = #map}, {transform_indices = #map1}]} {
    %mul3A = arith.constant 2 : i32
    %mul3A_0 = arith.muli %arg1, %mul3A : i32
    %add3A = arith.addi %mul3A_0, %arg0 : i32
    %lt3A = arith.constant 2 : i32
    %lt3A_1 = arith.cmpi slt, %add3A, %lt3A : i32
    %jit3A = arith.constant 5 : i32
    %jit3A_2 = arith.constant 4 : i32
    %select_n3A = arith.select %lt3A_1, %jit3A, %jit3A_2 : i32
    %iota3A = tpu.iota {dimensions = array<i32: 0>} : vector<16xi32>
    %eq3A = arith.constant 0 : i32
    %eq3A_3 = arith.cmpi eq, %add3A, %eq3A : i32
    %convert_element_type3A = arith.extui %eq3A_3 : i1 to i32
    %cond3A = arith.constant 0 : i32
    %cond3A_4 = arith.cmpi ne, %convert_element_type3A, %cond3A : i32
    scf.if %cond3A_4 {
      %dma_start3A_65 = arith.constant 16 : i32
      %dma_start3A_66 = tpu.memref_slice %arg5[%dma_start3A_65] : memref<7696xi32, #tpu.memory_space<vmem>> -> memref<7680xi32, #tpu.memory_space<vmem>>
      %dma_start3A_67 = arith.constant 0 : i32
      %dma_start3A_68 = tpu.memref_slice %arg2[%dma_start3A_67] : memref<1000000xi32, #tpu.memory_space<hbm>> -> memref<7680xi32, #tpu.memory_space<hbm>>
      %dma_start3A_69 = arith.constant 16 : i32
      %dma_start3A_70 = tpu.memref_slice %arg5[%dma_start3A_69] : memref<7696xi32, #tpu.memory_space<vmem>> -> memref<7680xi32, #tpu.memory_space<vmem>>
      %dma_start3A_71 = arith.constant 0 : i32
      %dma_start3A_72 = tpu.memref_slice %arg2[%dma_start3A_71] : memref<1000000xi32, #tpu.memory_space<hbm>> -> memref<7680xi32, #tpu.memory_space<hbm>>
      tpu.enqueue_dma source(%dma_start3A_72 : memref<7680xi32, #tpu.memory_space<hbm>>) target(%dma_start3A_70 : memref<7680xi32, #tpu.memory_space<vmem>>) target_semaphore(%arg10 : memref<!tpu.dma_semaphore, #tpu.memory_space<semaphore_mem>>)
    } else {
    }
    %gt3A = arith.constant 0 : i32
    %gt3A_5 = arith.cmpi sgt, %add3A, %gt3A : i32
    %convert_element_type3A_6 = arith.extui %gt3A_5 : i1 to i32
    %cond3A_7 = arith.constant 0 : i32
    %cond3A_8 = arith.cmpi ne, %convert_element_type3A_6, %cond3A_7 : i32
    scf.if %cond3A_8 {
      %add3A_65 = arith.constant 0 : i32
      %add3A_66 = arith.addi %add3A, %add3A_65 : i32
      %mul3A_67 = arith.constant 7680 : i32
      %mul3A_68 = arith.muli %add3A_66, %mul3A_67 : i32
      %sub3A_69 = arith.constant 16 : i32
      %sub3A_70 = arith.subi %mul3A_68, %sub3A_69 : i32
      %dma_start3A_71 = tpu.memref_slice %arg2[%sub3A_70] : memref<1000000xi32, #tpu.memory_space<hbm>> -> memref<7696xi32, #tpu.memory_space<hbm>>
      %dma_start3A_72 = tpu.memref_slice %arg2[%sub3A_70] : memref<1000000xi32, #tpu.memory_space<hbm>> -> memref<7696xi32, #tpu.memory_space<hbm>>
      tpu.enqueue_dma source(%dma_start3A_72 : memref<7696xi32, #tpu.memory_space<hbm>>) target(%arg5 : memref<7696xi32, #tpu.memory_space<vmem>>) target_semaphore(%arg10 : memref<!tpu.dma_semaphore, #tpu.memory_space<semaphore_mem>>)
    } else {
    }
    %add3A_9 = arith.constant 32 : i32
    %add3A_10 = arith.addi %add3A, %add3A_9 : i32
    %mul3A_11 = arith.constant 7680 : i32
    %mul3A_12 = arith.muli %add3A_10, %mul3A_11 : i32
    %sub3A = arith.constant 16 : i32
    %sub3A_13 = arith.subi %mul3A_12, %sub3A : i32
    %dma_start3A = tpu.memref_slice %arg2[%sub3A_13] : memref<1000000xi32, #tpu.memory_space<hbm>> -> memref<7696xi32, #tpu.memory_space<hbm>>
    %dma_start3A_14 = tpu.memref_slice %arg2[%sub3A_13] : memref<1000000xi32, #tpu.memory_space<hbm>> -> memref<7696xi32, #tpu.memory_space<hbm>>
    tpu.enqueue_dma source(%dma_start3A_14 : memref<7696xi32, #tpu.memory_space<hbm>>) target(%arg6 : memref<7696xi32, #tpu.memory_space<vmem>>) target_semaphore(%arg11 : memref<!tpu.dma_semaphore, #tpu.memory_space<semaphore_mem>>)
    "tpu.region"() ({
      %run_scoped3A = tpu.sem_alloc : memref<!tpu.dma_semaphore, #tpu.memory_space<semaphore_mem>>
      tpu.enqueue_dma source(%arg3 : memref<16xi32, #tpu.memory_space<hbm>>) target(%arg9 : memref<16xi32, #tpu.memory_space<vmem>>) target_semaphore(%run_scoped3A : memref<!tpu.dma_semaphore, #tpu.memory_space<semaphore_mem>>)
      tpu.wait_dma2 semaphore(%run_scoped3A : memref<!tpu.dma_semaphore, #tpu.memory_space<semaphore_mem>>) src(%arg3 : memref<16xi32, #tpu.memory_space<hbm>>) dst(%arg9 : memref<16xi32, #tpu.memory_space<vmem>>)
      tpu.yield
    }) : () -> ()
    %get3A = arith.constant 0 : index
    %get3A_15 = tpu.vector_load %arg9[%get3A] {strides = array<i32>} : memref<16xi32, #tpu.memory_space<vmem>>, vector<16xi32>,
    %gt3A_16 = arith.constant 0 : i32
    %gt3A_17 = arith.cmpi sgt, %select_n3A, %gt3A_16 : i32
    %convert_element_type3A_18 = arith.extui %gt3A_17 : i1 to i32
    %cond3A_19 = arith.constant 0 : i32
    %cond3A_20 = arith.cmpi ne, %convert_element_type3A_18, %cond3A_19 : i32
    scf.if %cond3A_20 {
      %eq3A_65 = arith.constant 0 : i32
      %eq3A_66 = arith.cmpi eq, %add3A, %eq3A_65 : i32
      %convert_element_type3A_67 = arith.extui %eq3A_66 : i1 to i32
      %cond3A_68 = arith.constant 0 : i32
      %cond3A_69 = arith.cmpi ne, %convert_element_type3A_67, %cond3A_68 : i32
      scf.if %cond3A_69 {
        %dma_wait3A_96 = arith.constant 16 : i32
        %dma_wait3A_97 = tpu.memref_slice %arg5[%dma_wait3A_96] : memref<7696xi32, #tpu.memory_space<vmem>> -> memref<7680xi32, #tpu.memory_space<vmem>>
        %dma_wait3A_98 = arith.constant 0 : i32
        %dma_wait3A_99 = tpu.memref_slice %arg2[%dma_wait3A_98] : memref<1000000xi32, #tpu.memory_space<hbm>> -> memref<7680xi32, #tpu.memory_space<hbm>>
        %dma_wait3A_100 = arith.constant 16 : i32
        %dma_wait3A_101 = tpu.memref_slice %arg5[%dma_wait3A_100] : memref<7696xi32, #tpu.memory_space<vmem>> -> memref<7680xi32, #tpu.memory_space<vmem>>
        %dma_wait3A_102 = arith.constant 0 : i32
        %dma_wait3A_103 = tpu.memref_slice %arg2[%dma_wait3A_102] : memref<1000000xi32, #tpu.memory_space<hbm>> -> memref<7680xi32, #tpu.memory_space<hbm>>
        tpu.wait_dma2 semaphore(%arg10 : memref<!tpu.dma_semaphore, #tpu.memory_space<semaphore_mem>>) src(%dma_wait3A_103 : memref<7680xi32, #tpu.memory_space<hbm>>) dst(%dma_wait3A_101 : memref<7680xi32, #tpu.memory_space<vmem>>)
      } else {
      }
      %gt3A_70 = arith.constant 0 : i32
      %gt3A_71 = arith.cmpi sgt, %add3A, %gt3A_70 : i32
      %convert_element_type3A_72 = arith.extui %gt3A_71 : i1 to i32
      %cond3A_73 = arith.constant 0 : i32
      %cond3A_74 = arith.cmpi ne, %convert_element_type3A_72, %cond3A_73 : i32
      scf.if %cond3A_74 {
        %add3A_96 = arith.constant 0 : i32
        %add3A_97 = arith.addi %add3A, %add3A_96 : i32
        %mul3A_98 = arith.constant 7680 : i32
        %mul3A_99 = arith.muli %add3A_97, %mul3A_98 : i32
        %sub3A_100 = arith.constant 16 : i32
        %sub3A_101 = arith.subi %mul3A_99, %sub3A_100 : i32
        %dma_wait3A_102 = tpu.memref_slice %arg2[%sub3A_101] : memref<1000000xi32, #tpu.memory_space<hbm>> -> memref<7696xi32, #tpu.memory_space<hbm>>
        %dma_wait3A_103 = tpu.memref_slice %arg2[%sub3A_101] : memref<1000000xi32, #tpu.memory_space<hbm>> -> memref<7696xi32, #tpu.memory_space<hbm>>
        tpu.wait_dma2 semaphore(%arg10 : memref<!tpu.dma_semaphore, #tpu.memory_space<semaphore_mem>>) src(%dma_wait3A_103 : memref<7696xi32, #tpu.memory_space<hbm>>) dst(%arg5 : memref<7696xi32, #tpu.memory_space<vmem>>)
      } else {
      }
      %add3A_75 = arith.constant 0 : i32
      %add3A_76 = arith.addi %add3A, %add3A_75 : i32
      %mul3A_77 = arith.constant 7680 : i32
      %mul3A_78 = arith.muli %add3A_76, %mul3A_77 : i32
      %parallel_loop3A = arith.constant 0 : i32
      %parallel_loop3A_79 = arith.constant 480 : i32
      %parallel_loop3A_80 = arith.constant 1 : i32
      scf.for %parallel_loop3A_96 = %parallel_loop3A to %parallel_loop3A_79 step %parallel_loop3A_80  : i32 {
        %parallel_loop3A_97 = arith.constant 16 : i32
        %parallel_loop3A_98 = arith.muli %parallel_loop3A_96, %parallel_loop3A_97 : i32
        %parallel_loop3A_99 = arith.constant 16 : i32
        %parallel_loop3A_100 = arith.addi %parallel_loop3A_98, %parallel_loop3A_99 : i32
        %parallel_loop3A_101 = arith.index_cast %parallel_loop3A_100 : i32 to index
        %parallel_loop3A_102 = tpu.vector_load %arg5[%parallel_loop3A_101] {strides = array<i32>} : memref<7696xi32, #tpu.memory_space<vmem>>, vector<16xi32>,
        %parallel_loop3A_103 = arith.constant 16 : i32
        %parallel_loop3A_104 = arith.addi %parallel_loop3A_98, %parallel_loop3A_103 : i32
        %parallel_loop3A_105 = arith.constant 1 : i32
        %parallel_loop3A_106 = arith.subi %parallel_loop3A_104, %parallel_loop3A_105 : i32
        %parallel_loop3A_107 = vector.broadcast %parallel_loop3A_106 : i32 to vector<16xi32>
        %parallel_loop3A_108 = arith.addi %iota3A, %parallel_loop3A_107 : vector<16xi32>
        %parallel_loop3A_109 = tpu.vector_load_idx %arg5[%parallel_loop3A_108] : memref<7696xi32, #tpu.memory_space<vmem>>[vector<16xi32>], vector<16xi32>,
        %parallel_loop3A_110 = arith.addi %mul3A_78, %parallel_loop3A_98 : i32
        %parallel_loop3A_111 = vector.broadcast %parallel_loop3A_110 : i32 to vector<16xi32>
        %parallel_loop3A_112 = arith.addi %iota3A, %parallel_loop3A_111 : vector<16xi32>
        %parallel_loop3A_113 = arith.cmpi ne, %parallel_loop3A_102, %parallel_loop3A_109 : vector<16xi32>
        %parallel_loop3A_114 = arith.constant 0 : i32
        %parallel_loop3A_115 = vector.broadcast %parallel_loop3A_114 : i32 to vector<16xi32>
        %parallel_loop3A_116 = arith.cmpi eq, %parallel_loop3A_112, %parallel_loop3A_115 : vector<16xi32>
        %parallel_loop3A_117 = arith.ori %parallel_loop3A_113, %parallel_loop3A_116 : vector<16xi1>
        %parallel_loop3A_118 = arith.constant 1 : i32
        %parallel_loop3A_119 = arith.constant 0 : i32
        %parallel_loop3A_120 = vector.broadcast %parallel_loop3A_118 : i32 to vector<16xi32>
        %parallel_loop3A_121 = vector.broadcast %parallel_loop3A_119 : i32 to vector<16xi32>
        %parallel_loop3A_122 = arith.select %parallel_loop3A_117, %parallel_loop3A_120, %parallel_loop3A_121 : vector<16xi1>, vector<16xi32>
        %parallel_loop3A_123 = arith.constant 0 : i32
        %parallel_loop3A_124 = vector.broadcast %parallel_loop3A_123 : i32 to vector<16xi32>
        %parallel_loop3A_125 = arith.cmpi eq, %parallel_loop3A_102, %parallel_loop3A_124 : vector<16xi32>
        %parallel_loop3A_126 = arith.constant 1 : i32
        %parallel_loop3A_127 = arith.constant 0 : i32
        %parallel_loop3A_128 = vector.broadcast %parallel_loop3A_126 : i32 to vector<16xi32>
        %parallel_loop3A_129 = vector.broadcast %parallel_loop3A_127 : i32 to vector<16xi32>
        %parallel_loop3A_130 = arith.select %parallel_loop3A_125, %parallel_loop3A_128, %parallel_loop3A_129 : vector<16xi1>, vector<16xi32>
        %parallel_loop3A_131 = arith.constant 0 : i32
        %parallel_loop3A_132 = vector.broadcast %parallel_loop3A_131 : i32 to vector<16xi32>
        %parallel_loop3A_133 = arith.cmpi sgt, %parallel_loop3A_102, %parallel_loop3A_132 : vector<16xi32>
        %parallel_loop3A_134 = arith.cmpi slt, %parallel_loop3A_102, %get3A_15 : vector<16xi32>
        %parallel_loop3A_135 = arith.andi %parallel_loop3A_133, %parallel_loop3A_134 : vector<16xi1>
        %parallel_loop3A_136 = arith.constant 1 : i32
        %parallel_loop3A_137 = arith.constant 0 : i32
        %parallel_loop3A_138 = vector.broadcast %parallel_loop3A_136 : i32 to vector<16xi32>
        %parallel_loop3A_139 = vector.broadcast %parallel_loop3A_137 : i32 to vector<16xi32>
        %parallel_loop3A_140 = arith.select %parallel_loop3A_135, %parallel_loop3A_138, %parallel_loop3A_139 : vector<16xi1>, vector<16xi32>
        %parallel_loop3A_141 = arith.cmpi eq, %parallel_loop3A_102, %get3A_15 : vector<16xi32>
        %parallel_loop3A_142 = arith.constant 1 : i32
        %parallel_loop3A_143 = arith.constant 0 : i32
        %parallel_loop3A_144 = vector.broadcast %parallel_loop3A_142 : i32 to vector<16xi32>
        %parallel_loop3A_145 = vector.broadcast %parallel_loop3A_143 : i32 to vector<16xi32>
        %parallel_loop3A_146 = arith.select %parallel_loop3A_141, %parallel_loop3A_144, %parallel_loop3A_145 : vector<16xi1>, vector<16xi32>
        %parallel_loop3A_147 = arith.constant 3 : i32
        %parallel_loop3A_148 = arith.shrsi %parallel_loop3A_96, %parallel_loop3A_147 : i32
        %parallel_loop3A_149 = arith.constant 7 : i32
        %parallel_loop3A_150 = arith.andi %parallel_loop3A_96, %parallel_loop3A_149 : i32
        %parallel_loop3A_151 = arith.constant 16 : i32
        %parallel_loop3A_152 = arith.muli %parallel_loop3A_150, %parallel_loop3A_151 : i32
        %parallel_loop3A_153 = arith.constant 0 : i32
        %parallel_loop3A_154 = arith.index_cast %parallel_loop3A_148 : i32 to index
        %parallel_loop3A_155 = arith.index_cast %parallel_loop3A_153 : i32 to index
        %parallel_loop3A_156 = arith.index_cast %parallel_loop3A_152 : i32 to index
        %parallel_loop3A_157 = tpu.vector_load %arg7[%parallel_loop3A_154, %parallel_loop3A_155, %parallel_loop3A_156] {strides = array<i32>} : memref<60x4x128xi32, #tpu.memory_space<vmem>>, vector<16xi32>,
        tpu.vector_store %arg7[%parallel_loop3A_154, %parallel_loop3A_155, %parallel_loop3A_156], %parallel_loop3A_122 {strides = array<i32>} : memref<60x4x128xi32, #tpu.memory_space<vmem>>, vector<16xi32>,
        %parallel_loop3A_158 = arith.constant 1 : i32
        %parallel_loop3A_159 = arith.index_cast %parallel_loop3A_148 : i32 to index
        %parallel_loop3A_160 = arith.index_cast %parallel_loop3A_158 : i32 to index
        %parallel_loop3A_161 = arith.index_cast %parallel_loop3A_152 : i32 to index
        %parallel_loop3A_162 = tpu.vector_load %arg7[%parallel_loop3A_159, %parallel_loop3A_160, %parallel_loop3A_161] {strides = array<i32>} : memref<60x4x128xi32, #tpu.memory_space<vmem>>, vector<16xi32>,
        tpu.vector_store %arg7[%parallel_loop3A_159, %parallel_loop3A_160, %parallel_loop3A_161], %parallel_loop3A_130 {strides = array<i32>} : memref<60x4x128xi32, #tpu.memory_space<vmem>>, vector<16xi32>,
        %parallel_loop3A_163 = arith.constant 2 : i32
        %parallel_loop3A_164 = arith.index_cast %parallel_loop3A_148 : i32 to index
        %parallel_loop3A_165 = arith.index_cast %parallel_loop3A_163 : i32 to index
        %parallel_loop3A_166 = arith.index_cast %parallel_loop3A_152 : i32 to index
        %parallel_loop3A_167 = tpu.vector_load %arg7[%parallel_loop3A_164, %parallel_loop3A_165, %parallel_loop3A_166] {strides = array<i32>} : memref<60x4x128xi32, #tpu.memory_space<vmem>>, vector<16xi32>,
        tpu.vector_store %arg7[%parallel_loop3A_164, %parallel_loop3A_165, %parallel_loop3A_166], %parallel_loop3A_140 {strides = array<i32>} : memref<60x4x128xi32, #tpu.memory_space<vmem>>, vector<16xi32>,
        %parallel_loop3A_168 = arith.constant 3 : i32
        %parallel_loop3A_169 = arith.index_cast %parallel_loop3A_148 : i32 to index
        %parallel_loop3A_170 = arith.index_cast %parallel_loop3A_168 : i32 to index
        %parallel_loop3A_171 = arith.index_cast %parallel_loop3A_152 : i32 to index
        %parallel_loop3A_172 = tpu.vector_load %arg7[%parallel_loop3A_169, %parallel_loop3A_170, %parallel_loop3A_171] {strides = array<i32>} : memref<60x4x128xi32, #tpu.memory_space<vmem>>, vector<16xi32>,
        tpu.vector_store %arg7[%parallel_loop3A_169, %parallel_loop3A_170, %parallel_loop3A_171], %parallel_loop3A_146 {strides = array<i32>} : memref<60x4x128xi32, #tpu.memory_space<vmem>>, vector<16xi32>,
      } {sc.loop_unroll_factor = 4 : i64, sc.parallel_access}
      %add3A_81 = arith.constant 0 : i32
      %add3A_82 = arith.addi %add3A, %add3A_81 : i32
      %mul3A_83 = arith.constant 60 : i32
      %mul3A_84 = arith.muli %add3A_82, %mul3A_83 : i32
      %dma_start3A_85 = arith.constant 0 : i32
      %dma_start3A_86 = arith.constant 0 : i32
      %dma_start3A_87 = tpu.memref_slice %arg4[%mul3A_84, %dma_start3A_85, %dma_start3A_86] : memref<7813x4x128xi32, #tpu.memory_space<hbm>> -> memref<60x4x128xi32, #tpu.memory_space<hbm>>
      %dma_start3A_88 = arith.constant 0 : i32
      %dma_start3A_89 = arith.constant 0 : i32
      %dma_start3A_90 = tpu.memref_slice %arg4[%mul3A_84, %dma_start3A_88, %dma_start3A_89] : memref<7813x4x128xi32, #tpu.memory_space<hbm>> -> memref<60x4x128xi32, #tpu.memory_space<hbm>>
      tpu.enqueue_dma source(%arg7 : memref<60x4x128xi32, #tpu.memory_space<vmem>>) target(%dma_start3A_90 : memref<60x4x128xi32, #tpu.memory_space<hbm>>) target_semaphore(%arg12 : memref<!tpu.dma_semaphore, #tpu.memory_space<semaphore_mem>>)
      %gt3A_91 = arith.constant 2 : i32
      %gt3A_92 = arith.cmpi sgt, %select_n3A, %gt3A_91 : i32
      %convert_element_type3A_93 = arith.extui %gt3A_92 : i1 to i32
      %cond3A_94 = arith.constant 0 : i32
      %cond3A_95 = arith.cmpi ne, %convert_element_type3A_93, %cond3A_94 : i32
      scf.if %cond3A_95 {
        %add3A_96 = arith.constant 64 : i32
        %add3A_97 = arith.addi %add3A, %add3A_96 : i32
        %mul3A_98 = arith.constant 7680 : i32
        %mul3A_99 = arith.muli %add3A_97, %mul3A_98 : i32
        %sub3A_100 = arith.constant 16 : i32
        %sub3A_101 = arith.subi %mul3A_99, %sub3A_100 : i32
        %dma_start3A_102 = tpu.memref_slice %arg2[%sub3A_101] : memref<1000000xi32, #tpu.memory_space<hbm>> -> memref<7696xi32, #tpu.memory_space<hbm>>
        %dma_start3A_103 = tpu.memref_slice %arg2[%sub3A_101] : memref<1000000xi32, #tpu.memory_space<hbm>> -> memref<7696xi32, #tpu.memory_space<hbm>>
        tpu.enqueue_dma source(%dma_start3A_103 : memref<7696xi32, #tpu.memory_space<hbm>>) target(%arg5 : memref<7696xi32, #tpu.memory_space<vmem>>) target_semaphore(%arg10 : memref<!tpu.dma_semaphore, #tpu.memory_space<semaphore_mem>>)
      } else {
      }
    } else {
    }
    %gt3A_21 = arith.constant 1 : i32
    %gt3A_22 = arith.cmpi sgt, %select_n3A, %gt3A_21 : i32
    %convert_element_type3A_23 = arith.extui %gt3A_22 : i1 to i32
    %cond3A_24 = arith.constant 0 : i32
    %cond3A_25 = arith.cmpi ne, %convert_element_type3A_23, %cond3A_24 : i32
    scf.if %cond3A_25 {
      %add3A_65 = arith.constant 32 : i32
      %add3A_66 = arith.addi %add3A, %add3A_65 : i32
      %mul3A_67 = arith.constant 7680 : i32
      %mul3A_68 = arith.muli %add3A_66, %mul3A_67 : i32
      %sub3A_69 = arith.constant 16 : i32
      %sub3A_70 = arith.subi %mul3A_68, %sub3A_69 : i32
      %dma_wait3A_71 = tpu.memref_slice %arg2[%sub3A_70] : memref<1000000xi32, #tpu.memory_space<hbm>> -> memref<7696xi32, #tpu.memory_space<hbm>>
      %dma_wait3A_72 = tpu.memref_slice %arg2[%sub3A_70] : memref<1000000xi32, #tpu.memory_space<hbm>> -> memref<7696xi32, #tpu.memory_space<hbm>>
      tpu.wait_dma2 semaphore(%arg11 : memref<!tpu.dma_semaphore, #tpu.memory_space<semaphore_mem>>) src(%dma_wait3A_72 : memref<7696xi32, #tpu.memory_space<hbm>>) dst(%arg6 : memref<7696xi32, #tpu.memory_space<vmem>>)
      %add3A_73 = arith.constant 32 : i32
      %add3A_74 = arith.addi %add3A, %add3A_73 : i32
      %mul3A_75 = arith.constant 7680 : i32
      %mul3A_76 = arith.muli %add3A_74, %mul3A_75 : i32
      %parallel_loop3A = arith.constant 0 : i32
      %parallel_loop3A_77 = arith.constant 480 : i32
      %parallel_loop3A_78 = arith.constant 1 : i32
      scf.for %parallel_loop3A_94 = %parallel_loop3A to %parallel_loop3A_77 step %parallel_loop3A_78  : i32 {
        %parallel_loop3A_95 = arith.constant 16 : i32
        %parallel_loop3A_96 = arith.muli %parallel_loop3A_94, %parallel_loop3A_95 : i32
        %parallel_loop3A_97 = arith.constant 16 : i32
        %parallel_loop3A_98 = arith.addi %parallel_loop3A_96, %parallel_loop3A_97 : i32
        %parallel_loop3A_99 = arith.index_cast %parallel_loop3A_98 : i32 to index
        %parallel_loop3A_100 = tpu.vector_load %arg6[%parallel_loop3A_99] {strides = array<i32>} : memref<7696xi32, #tpu.memory_space<vmem>>, vector<16xi32>,
        %parallel_loop3A_101 = arith.constant 16 : i32
        %parallel_loop3A_102 = arith.addi %parallel_loop3A_96, %parallel_loop3A_101 : i32
        %parallel_loop3A_103 = arith.constant 1 : i32
        %parallel_loop3A_104 = arith.subi %parallel_loop3A_102, %parallel_loop3A_103 : i32
        %parallel_loop3A_105 = vector.broadcast %parallel_loop3A_104 : i32 to vector<16xi32>
        %parallel_loop3A_106 = arith.addi %iota3A, %parallel_loop3A_105 : vector<16xi32>
        %parallel_loop3A_107 = tpu.vector_load_idx %arg6[%parallel_loop3A_106] : memref<7696xi32, #tpu.memory_space<vmem>>[vector<16xi32>], vector<16xi32>,
        %parallel_loop3A_108 = arith.addi %mul3A_76, %parallel_loop3A_96 : i32
        %parallel_loop3A_109 = vector.broadcast %parallel_loop3A_108 : i32 to vector<16xi32>
        %parallel_loop3A_110 = arith.addi %iota3A, %parallel_loop3A_109 : vector<16xi32>
        %parallel_loop3A_111 = arith.cmpi ne, %parallel_loop3A_100, %parallel_loop3A_107 : vector<16xi32>
        %parallel_loop3A_112 = arith.constant 0 : i32
        %parallel_loop3A_113 = vector.broadcast %parallel_loop3A_112 : i32 to vector<16xi32>
        %parallel_loop3A_114 = arith.cmpi eq, %parallel_loop3A_110, %parallel_loop3A_113 : vector<16xi32>
        %parallel_loop3A_115 = arith.ori %parallel_loop3A_111, %parallel_loop3A_114 : vector<16xi1>
        %parallel_loop3A_116 = arith.constant 1 : i32
        %parallel_loop3A_117 = arith.constant 0 : i32
        %parallel_loop3A_118 = vector.broadcast %parallel_loop3A_116 : i32 to vector<16xi32>
        %parallel_loop3A_119 = vector.broadcast %parallel_loop3A_117 : i32 to vector<16xi32>
        %parallel_loop3A_120 = arith.select %parallel_loop3A_115, %parallel_loop3A_118, %parallel_loop3A_119 : vector<16xi1>, vector<16xi32>
        %parallel_loop3A_121 = arith.constant 0 : i32
        %parallel_loop3A_122 = vector.broadcast %parallel_loop3A_121 : i32 to vector<16xi32>
        %parallel_loop3A_123 = arith.cmpi eq, %parallel_loop3A_100, %parallel_loop3A_122 : vector<16xi32>
        %parallel_loop3A_124 = arith.constant 1 : i32
        %parallel_loop3A_125 = arith.constant 0 : i32
        %parallel_loop3A_126 = vector.broadcast %parallel_loop3A_124 : i32 to vector<16xi32>
        %parallel_loop3A_127 = vector.broadcast %parallel_loop3A_125 : i32 to vector<16xi32>
        %parallel_loop3A_128 = arith.select %parallel_loop3A_123, %parallel_loop3A_126, %parallel_loop3A_127 : vector<16xi1>, vector<16xi32>
        %parallel_loop3A_129 = arith.constant 0 : i32
        %parallel_loop3A_130 = vector.broadcast %parallel_loop3A_129 : i32 to vector<16xi32>
        %parallel_loop3A_131 = arith.cmpi sgt, %parallel_loop3A_100, %parallel_loop3A_130 : vector<16xi32>
        %parallel_loop3A_132 = arith.cmpi slt, %parallel_loop3A_100, %get3A_15 : vector<16xi32>
        %parallel_loop3A_133 = arith.andi %parallel_loop3A_131, %parallel_loop3A_132 : vector<16xi1>
        %parallel_loop3A_134 = arith.constant 1 : i32
        %parallel_loop3A_135 = arith.constant 0 : i32
        %parallel_loop3A_136 = vector.broadcast %parallel_loop3A_134 : i32 to vector<16xi32>
        %parallel_loop3A_137 = vector.broadcast %parallel_loop3A_135 : i32 to vector<16xi32>
        %parallel_loop3A_138 = arith.select %parallel_loop3A_133, %parallel_loop3A_136, %parallel_loop3A_137 : vector<16xi1>, vector<16xi32>
        %parallel_loop3A_139 = arith.cmpi eq, %parallel_loop3A_100, %get3A_15 : vector<16xi32>
        %parallel_loop3A_140 = arith.constant 1 : i32
        %parallel_loop3A_141 = arith.constant 0 : i32
        %parallel_loop3A_142 = vector.broadcast %parallel_loop3A_140 : i32 to vector<16xi32>
        %parallel_loop3A_143 = vector.broadcast %parallel_loop3A_141 : i32 to vector<16xi32>
        %parallel_loop3A_144 = arith.select %parallel_loop3A_139, %parallel_loop3A_142, %parallel_loop3A_143 : vector<16xi1>, vector<16xi32>
        %parallel_loop3A_145 = arith.constant 3 : i32
        %parallel_loop3A_146 = arith.shrsi %parallel_loop3A_94, %parallel_loop3A_145 : i32
        %parallel_loop3A_147 = arith.constant 7 : i32
        %parallel_loop3A_148 = arith.andi %parallel_loop3A_94, %parallel_loop3A_147 : i32
        %parallel_loop3A_149 = arith.constant 16 : i32
        %parallel_loop3A_150 = arith.muli %parallel_loop3A_148, %parallel_loop3A_149 : i32
        %parallel_loop3A_151 = arith.constant 0 : i32
        %parallel_loop3A_152 = arith.index_cast %parallel_loop3A_146 : i32 to index
        %parallel_loop3A_153 = arith.index_cast %parallel_loop3A_151 : i32 to index
        %parallel_loop3A_154 = arith.index_cast %parallel_loop3A_150 : i32 to index
        %parallel_loop3A_155 = tpu.vector_load %arg8[%parallel_loop3A_152, %parallel_loop3A_153, %parallel_loop3A_154] {strides = array<i32>} : memref<60x4x128xi32, #tpu.memory_space<vmem>>, vector<16xi32>,
        tpu.vector_store %arg8[%parallel_loop3A_152, %parallel_loop3A_153, %parallel_loop3A_154], %parallel_loop3A_120 {strides = array<i32>} : memref<60x4x128xi32, #tpu.memory_space<vmem>>, vector<16xi32>,
        %parallel_loop3A_156 = arith.constant 1 : i32
        %parallel_loop3A_157 = arith.index_cast %parallel_loop3A_146 : i32 to index
        %parallel_loop3A_158 = arith.index_cast %parallel_loop3A_156 : i32 to index
        %parallel_loop3A_159 = arith.index_cast %parallel_loop3A_150 : i32 to index
        %parallel_loop3A_160 = tpu.vector_load %arg8[%parallel_loop3A_157, %parallel_loop3A_158, %parallel_loop3A_159] {strides = array<i32>} : memref<60x4x128xi32, #tpu.memory_space<vmem>>, vector<16xi32>,
        tpu.vector_store %arg8[%parallel_loop3A_157, %parallel_loop3A_158, %parallel_loop3A_159], %parallel_loop3A_128 {strides = array<i32>} : memref<60x4x128xi32, #tpu.memory_space<vmem>>, vector<16xi32>,
        %parallel_loop3A_161 = arith.constant 2 : i32
        %parallel_loop3A_162 = arith.index_cast %parallel_loop3A_146 : i32 to index
        %parallel_loop3A_163 = arith.index_cast %parallel_loop3A_161 : i32 to index
        %parallel_loop3A_164 = arith.index_cast %parallel_loop3A_150 : i32 to index
        %parallel_loop3A_165 = tpu.vector_load %arg8[%parallel_loop3A_162, %parallel_loop3A_163, %parallel_loop3A_164] {strides = array<i32>} : memref<60x4x128xi32, #tpu.memory_space<vmem>>, vector<16xi32>,
        tpu.vector_store %arg8[%parallel_loop3A_162, %parallel_loop3A_163, %parallel_loop3A_164], %parallel_loop3A_138 {strides = array<i32>} : memref<60x4x128xi32, #tpu.memory_space<vmem>>, vector<16xi32>,
        %parallel_loop3A_166 = arith.constant 3 : i32
        %parallel_loop3A_167 = arith.index_cast %parallel_loop3A_146 : i32 to index
        %parallel_loop3A_168 = arith.index_cast %parallel_loop3A_166 : i32 to index
        %parallel_loop3A_169 = arith.index_cast %parallel_loop3A_150 : i32 to index
        %parallel_loop3A_170 = tpu.vector_load %arg8[%parallel_loop3A_167, %parallel_loop3A_168, %parallel_loop3A_169] {strides = array<i32>} : memref<60x4x128xi32, #tpu.memory_space<vmem>>, vector<16xi32>,
        tpu.vector_store %arg8[%parallel_loop3A_167, %parallel_loop3A_168, %parallel_loop3A_169], %parallel_loop3A_144 {strides = array<i32>} : memref<60x4x128xi32, #tpu.memory_space<vmem>>, vector<16xi32>,
      } {sc.loop_unroll_factor = 4 : i64, sc.parallel_access}
      %add3A_79 = arith.constant 32 : i32
      %add3A_80 = arith.addi %add3A, %add3A_79 : i32
      %mul3A_81 = arith.constant 60 : i32
      %mul3A_82 = arith.muli %add3A_80, %mul3A_81 : i32
      %dma_start3A_83 = arith.constant 0 : i32
      %dma_start3A_84 = arith.constant 0 : i32
      %dma_start3A_85 = tpu.memref_slice %arg4[%mul3A_82, %dma_start3A_83, %dma_start3A_84] : memref<7813x4x128xi32, #tpu.memory_space<hbm>> -> memref<60x4x128xi32, #tpu.memory_space<hbm>>
      %dma_start3A_86 = arith.constant 0 : i32
      %dma_start3A_87 = arith.constant 0 : i32
      %dma_start3A_88 = tpu.memref_slice %arg4[%mul3A_82, %dma_start3A_86, %dma_start3A_87] : memref<7813x4x128xi32, #tpu.memory_space<hbm>> -> memref<60x4x128xi32, #tpu.memory_space<hbm>>
      tpu.enqueue_dma source(%arg8 : memref<60x4x128xi32, #tpu.memory_space<vmem>>) target(%dma_start3A_88 : memref<60x4x128xi32, #tpu.memory_space<hbm>>) target_semaphore(%arg13 : memref<!tpu.dma_semaphore, #tpu.memory_space<semaphore_mem>>)
      %gt3A_89 = arith.constant 3 : i32
      %gt3A_90 = arith.cmpi sgt, %select_n3A, %gt3A_89 : i32
      %convert_element_type3A_91 = arith.extui %gt3A_90 : i1 to i32
      %cond3A_92 = arith.constant 0 : i32
      %cond3A_93 = arith.cmpi ne, %convert_element_type3A_91, %cond3A_92 : i32
      scf.if %cond3A_93 {
        %add3A_94 = arith.constant 96 : i32
        %add3A_95 = arith.addi %add3A, %add3A_94 : i32
        %mul3A_96 = arith.constant 7680 : i32
        %mul3A_97 = arith.muli %add3A_95, %mul3A_96 : i32
        %sub3A_98 = arith.constant 16 : i32
        %sub3A_99 = arith.subi %mul3A_97, %sub3A_98 : i32
        %dma_start3A_100 = tpu.memref_slice %arg2[%sub3A_99] : memref<1000000xi32, #tpu.memory_space<hbm>> -> memref<7696xi32, #tpu.memory_space<hbm>>
        %dma_start3A_101 = tpu.memref_slice %arg2[%sub3A_99] : memref<1000000xi32, #tpu.memory_space<hbm>> -> memref<7696xi32, #tpu.memory_space<hbm>>
        tpu.enqueue_dma source(%dma_start3A_101 : memref<7696xi32, #tpu.memory_space<hbm>>) target(%arg6 : memref<7696xi32, #tpu.memory_space<vmem>>) target_semaphore(%arg11 : memref<!tpu.dma_semaphore, #tpu.memory_space<semaphore_mem>>)
      } else {
      }
    } else {
    }
    %gt3A_26 = arith.constant 2 : i32
    %gt3A_27 = arith.cmpi sgt, %select_n3A, %gt3A_26 : i32
    %convert_element_type3A_28 = arith.extui %gt3A_27 : i1 to i32
    %cond3A_29 = arith.constant 0 : i32
    %cond3A_30 = arith.cmpi ne, %convert_element_type3A_28, %cond3A_29 : i32
    scf.if %cond3A_30 {
      %add3A_65 = arith.constant 64 : i32
      %add3A_66 = arith.addi %add3A, %add3A_65 : i32
      %mul3A_67 = arith.constant 7680 : i32
      %mul3A_68 = arith.muli %add3A_66, %mul3A_67 : i32
      %sub3A_69 = arith.constant 16 : i32
      %sub3A_70 = arith.subi %mul3A_68, %sub3A_69 : i32
      %dma_wait3A_71 = tpu.memref_slice %arg2[%sub3A_70] : memref<1000000xi32, #tpu.memory_space<hbm>> -> memref<7696xi32, #tpu.memory_space<hbm>>
      %dma_wait3A_72 = tpu.memref_slice %arg2[%sub3A_70] : memref<1000000xi32, #tpu.memory_space<hbm>> -> memref<7696xi32, #tpu.memory_space<hbm>>
      tpu.wait_dma2 semaphore(%arg10 : memref<!tpu.dma_semaphore, #tpu.memory_space<semaphore_mem>>) src(%dma_wait3A_72 : memref<7696xi32, #tpu.memory_space<hbm>>) dst(%arg5 : memref<7696xi32, #tpu.memory_space<vmem>>)
      %add3A_73 = arith.constant 0 : i32
      %add3A_74 = arith.addi %add3A, %add3A_73 : i32
      %mul3A_75 = arith.constant 60 : i32
      %mul3A_76 = arith.muli %add3A_74, %mul3A_75 : i32
      %dma_wait3A_77 = arith.constant 0 : i32
      %dma_wait3A_78 = arith.constant 0 : i32
      %dma_wait3A_79 = tpu.memref_slice %arg4[%mul3A_76, %dma_wait3A_77, %dma_wait3A_78] : memref<7813x4x128xi32, #tpu.memory_space<hbm>> -> memref<60x4x128xi32, #tpu.memory_space<hbm>>
      %dma_wait3A_80 = arith.constant 0 : i32
      %dma_wait3A_81 = arith.constant 0 : i32
      %dma_wait3A_82 = tpu.memref_slice %arg4[%mul3A_76, %dma_wait3A_80, %dma_wait3A_81] : memref<7813x4x128xi32, #tpu.memory_space<hbm>> -> memref<60x4x128xi32, #tpu.memory_space<hbm>>
      tpu.wait_dma2 semaphore(%arg12 : memref<!tpu.dma_semaphore, #tpu.memory_space<semaphore_mem>>) src(%arg7 : memref<60x4x128xi32, #tpu.memory_space<vmem>>) dst(%dma_wait3A_82 : memref<60x4x128xi32, #tpu.memory_space<hbm>>)
      %add3A_83 = arith.constant 64 : i32
      %add3A_84 = arith.addi %add3A, %add3A_83 : i32
      %mul3A_85 = arith.constant 7680 : i32
      %mul3A_86 = arith.muli %add3A_84, %mul3A_85 : i32
      %parallel_loop3A = arith.constant 0 : i32
      %parallel_loop3A_87 = arith.constant 480 : i32
      %parallel_loop3A_88 = arith.constant 1 : i32
      scf.for %parallel_loop3A_109 = %parallel_loop3A to %parallel_loop3A_87 step %parallel_loop3A_88  : i32 {
        %parallel_loop3A_110 = arith.constant 16 : i32
        %parallel_loop3A_111 = arith.muli %parallel_loop3A_109, %parallel_loop3A_110 : i32
        %parallel_loop3A_112 = arith.constant 16 : i32
        %parallel_loop3A_113 = arith.addi %parallel_loop3A_111, %parallel_loop3A_112 : i32
        %parallel_loop3A_114 = arith.index_cast %parallel_loop3A_113 : i32 to index
        %parallel_loop3A_115 = tpu.vector_load %arg5[%parallel_loop3A_114] {strides = array<i32>} : memref<7696xi32, #tpu.memory_space<vmem>>, vector<16xi32>,
        %parallel_loop3A_116 = arith.constant 16 : i32
        %parallel_loop3A_117 = arith.addi %parallel_loop3A_111, %parallel_loop3A_116 : i32
        %parallel_loop3A_118 = arith.constant 1 : i32
        %parallel_loop3A_119 = arith.subi %parallel_loop3A_117, %parallel_loop3A_118 : i32
        %parallel_loop3A_120 = vector.broadcast %parallel_loop3A_119 : i32 to vector<16xi32>
        %parallel_loop3A_121 = arith.addi %iota3A, %parallel_loop3A_120 : vector<16xi32>
        %parallel_loop3A_122 = tpu.vector_load_idx %arg5[%parallel_loop3A_121] : memref<7696xi32, #tpu.memory_space<vmem>>[vector<16xi32>], vector<16xi32>,
        %parallel_loop3A_123 = arith.addi %mul3A_86, %parallel_loop3A_111 : i32
        %parallel_loop3A_124 = vector.broadcast %parallel_loop3A_123 : i32 to vector<16xi32>
        %parallel_loop3A_125 = arith.addi %iota3A, %parallel_loop3A_124 : vector<16xi32>
        %parallel_loop3A_126 = arith.cmpi ne, %parallel_loop3A_115, %parallel_loop3A_122 : vector<16xi32>
        %parallel_loop3A_127 = arith.constant 0 : i32
        %parallel_loop3A_128 = vector.broadcast %parallel_loop3A_127 : i32 to vector<16xi32>
        %parallel_loop3A_129 = arith.cmpi eq, %parallel_loop3A_125, %parallel_loop3A_128 : vector<16xi32>
        %parallel_loop3A_130 = arith.ori %parallel_loop3A_126, %parallel_loop3A_129 : vector<16xi1>
        %parallel_loop3A_131 = arith.constant 1 : i32
        %parallel_loop3A_132 = arith.constant 0 : i32
        %parallel_loop3A_133 = vector.broadcast %parallel_loop3A_131 : i32 to vector<16xi32>
        %parallel_loop3A_134 = vector.broadcast %parallel_loop3A_132 : i32 to vector<16xi32>
        %parallel_loop3A_135 = arith.select %parallel_loop3A_130, %parallel_loop3A_133, %parallel_loop3A_134 : vector<16xi1>, vector<16xi32>
        %parallel_loop3A_136 = arith.constant 0 : i32
        %parallel_loop3A_137 = vector.broadcast %parallel_loop3A_136 : i32 to vector<16xi32>
        %parallel_loop3A_138 = arith.cmpi eq, %parallel_loop3A_115, %parallel_loop3A_137 : vector<16xi32>
        %parallel_loop3A_139 = arith.constant 1 : i32
        %parallel_loop3A_140 = arith.constant 0 : i32
        %parallel_loop3A_141 = vector.broadcast %parallel_loop3A_139 : i32 to vector<16xi32>
        %parallel_loop3A_142 = vector.broadcast %parallel_loop3A_140 : i32 to vector<16xi32>
        %parallel_loop3A_143 = arith.select %parallel_loop3A_138, %parallel_loop3A_141, %parallel_loop3A_142 : vector<16xi1>, vector<16xi32>
        %parallel_loop3A_144 = arith.constant 0 : i32
        %parallel_loop3A_145 = vector.broadcast %parallel_loop3A_144 : i32 to vector<16xi32>
        %parallel_loop3A_146 = arith.cmpi sgt, %parallel_loop3A_115, %parallel_loop3A_145 : vector<16xi32>
        %parallel_loop3A_147 = arith.cmpi slt, %parallel_loop3A_115, %get3A_15 : vector<16xi32>
        %parallel_loop3A_148 = arith.andi %parallel_loop3A_146, %parallel_loop3A_147 : vector<16xi1>
        %parallel_loop3A_149 = arith.constant 1 : i32
        %parallel_loop3A_150 = arith.constant 0 : i32
        %parallel_loop3A_151 = vector.broadcast %parallel_loop3A_149 : i32 to vector<16xi32>
        %parallel_loop3A_152 = vector.broadcast %parallel_loop3A_150 : i32 to vector<16xi32>
        %parallel_loop3A_153 = arith.select %parallel_loop3A_148, %parallel_loop3A_151, %parallel_loop3A_152 : vector<16xi1>, vector<16xi32>
        %parallel_loop3A_154 = arith.cmpi eq, %parallel_loop3A_115, %get3A_15 : vector<16xi32>
        %parallel_loop3A_155 = arith.constant 1 : i32
        %parallel_loop3A_156 = arith.constant 0 : i32
        %parallel_loop3A_157 = vector.broadcast %parallel_loop3A_155 : i32 to vector<16xi32>
        %parallel_loop3A_158 = vector.broadcast %parallel_loop3A_156 : i32 to vector<16xi32>
        %parallel_loop3A_159 = arith.select %parallel_loop3A_154, %parallel_loop3A_157, %parallel_loop3A_158 : vector<16xi1>, vector<16xi32>
        %parallel_loop3A_160 = arith.constant 3 : i32
        %parallel_loop3A_161 = arith.shrsi %parallel_loop3A_109, %parallel_loop3A_160 : i32
        %parallel_loop3A_162 = arith.constant 7 : i32
        %parallel_loop3A_163 = arith.andi %parallel_loop3A_109, %parallel_loop3A_162 : i32
        %parallel_loop3A_164 = arith.constant 16 : i32
        %parallel_loop3A_165 = arith.muli %parallel_loop3A_163, %parallel_loop3A_164 : i32
        %parallel_loop3A_166 = arith.constant 0 : i32
        %parallel_loop3A_167 = arith.index_cast %parallel_loop3A_161 : i32 to index
        %parallel_loop3A_168 = arith.index_cast %parallel_loop3A_166 : i32 to index
        %parallel_loop3A_169 = arith.index_cast %parallel_loop3A_165 : i32 to index
        %parallel_loop3A_170 = tpu.vector_load %arg7[%parallel_loop3A_167, %parallel_loop3A_168, %parallel_loop3A_169] {strides = array<i32>} : memref<60x4x128xi32, #tpu.memory_space<vmem>>, vector<16xi32>,
        tpu.vector_store %arg7[%parallel_loop3A_167, %parallel_loop3A_168, %parallel_loop3A_169], %parallel_loop3A_135 {strides = array<i32>} : memref<60x4x128xi32, #tpu.memory_space<vmem>>, vector<16xi32>,
        %parallel_loop3A_171 = arith.constant 1 : i32
        %parallel_loop3A_172 = arith.index_cast %parallel_loop3A_161 : i32 to index
        %parallel_loop3A_173 = arith.index_cast %parallel_loop3A_171 : i32 to index
        %parallel_loop3A_174 = arith.index_cast %parallel_loop3A_165 : i32 to index
        %parallel_loop3A_175 = tpu.vector_load %arg7[%parallel_loop3A_172, %parallel_loop3A_173, %parallel_loop3A_174] {strides = array<i32>} : memref<60x4x128xi32, #tpu.memory_space<vmem>>, vector<16xi32>,
        tpu.vector_store %arg7[%parallel_loop3A_172, %parallel_loop3A_173, %parallel_loop3A_174], %parallel_loop3A_143 {strides = array<i32>} : memref<60x4x128xi32, #tpu.memory_space<vmem>>, vector<16xi32>,
        %parallel_loop3A_176 = arith.constant 2 : i32
        %parallel_loop3A_177 = arith.index_cast %parallel_loop3A_161 : i32 to index
        %parallel_loop3A_178 = arith.index_cast %parallel_loop3A_176 : i32 to index
        %parallel_loop3A_179 = arith.index_cast %parallel_loop3A_165 : i32 to index
        %parallel_loop3A_180 = tpu.vector_load %arg7[%parallel_loop3A_177, %parallel_loop3A_178, %parallel_loop3A_179] {strides = array<i32>} : memref<60x4x128xi32, #tpu.memory_space<vmem>>, vector<16xi32>,
        tpu.vector_store %arg7[%parallel_loop3A_177, %parallel_loop3A_178, %parallel_loop3A_179], %parallel_loop3A_153 {strides = array<i32>} : memref<60x4x128xi32, #tpu.memory_space<vmem>>, vector<16xi32>,
        %parallel_loop3A_181 = arith.constant 3 : i32
        %parallel_loop3A_182 = arith.index_cast %parallel_loop3A_161 : i32 to index
        %parallel_loop3A_183 = arith.index_cast %parallel_loop3A_181 : i32 to index
        %parallel_loop3A_184 = arith.index_cast %parallel_loop3A_165 : i32 to index
        %parallel_loop3A_185 = tpu.vector_load %arg7[%parallel_loop3A_182, %parallel_loop3A_183, %parallel_loop3A_184] {strides = array<i32>} : memref<60x4x128xi32, #tpu.memory_space<vmem>>, vector<16xi32>,
        tpu.vector_store %arg7[%parallel_loop3A_182, %parallel_loop3A_183, %parallel_loop3A_184], %parallel_loop3A_159 {strides = array<i32>} : memref<60x4x128xi32, #tpu.memory_space<vmem>>, vector<16xi32>,
      } {sc.loop_unroll_factor = 4 : i64, sc.parallel_access}
      %add3A_89 = arith.constant 64 : i32
      %add3A_90 = arith.addi %add3A, %add3A_89 : i32
      %mul3A_91 = arith.constant 60 : i32
      %mul3A_92 = arith.muli %add3A_90, %mul3A_91 : i32
      %dma_start3A_93 = arith.constant 0 : i32
      %dma_start3A_94 = arith.constant 0 : i32
      %dma_start3A_95 = tpu.memref_slice %arg4[%mul3A_92, %dma_start3A_93, %dma_start3A_94] : memref<7813x4x128xi32, #tpu.memory_space<hbm>> -> memref<60x4x128xi32, #tpu.memory_space<hbm>>
      %dma_start3A_96 = arith.constant 0 : i32
      %dma_start3A_97 = arith.constant 0 : i32
      %dma_start3A_98 = tpu.memref_slice %arg4[%mul3A_92, %dma_start3A_96, %dma_start3A_97] : memref<7813x4x128xi32, #tpu.memory_space<hbm>> -> memref<60x4x128xi32, #tpu.memory_space<hbm>>
      tpu.enqueue_dma source(%arg7 : memref<60x4x128xi32, #tpu.memory_space<vmem>>) target(%dma_start3A_98 : memref<60x4x128xi32, #tpu.memory_space<hbm>>) target_semaphore(%arg12 : memref<!tpu.dma_semaphore, #tpu.memory_space<semaphore_mem>>)
      %gt3A_99 = arith.constant 4 : i32
      %gt3A_100 = arith.cmpi sgt, %select_n3A, %gt3A_99 : i32
      %convert_element_type3A_101 = arith.extui %gt3A_100 : i1 to i32
      %cond3A_102 = arith.constant 0 : i32
      %cond3A_103 = arith.cmpi ne, %convert_element_type3A_101, %cond3A_102 : i32
      scf.if %cond3A_103 {
        %add3A_109 = arith.constant 128 : i32
        %add3A_110 = arith.addi %add3A, %add3A_109 : i32
        %mul3A_111 = arith.constant 7680 : i32
        %mul3A_112 = arith.muli %add3A_110, %mul3A_111 : i32
        %sub3A_113 = arith.constant 16 : i32
        %sub3A_114 = arith.subi %mul3A_112, %sub3A_113 : i32
        %dma_start3A_115 = tpu.memref_slice %arg2[%sub3A_114] : memref<1000000xi32, #tpu.memory_space<hbm>> -> memref<7696xi32, #tpu.memory_space<hbm>>
        %dma_start3A_116 = tpu.memref_slice %arg2[%sub3A_114] : memref<1000000xi32, #tpu.memory_space<hbm>> -> memref<7696xi32, #tpu.memory_space<hbm>>
        tpu.enqueue_dma source(%dma_start3A_116 : memref<7696xi32, #tpu.memory_space<hbm>>) target(%arg5 : memref<7696xi32, #tpu.memory_space<vmem>>) target_semaphore(%arg10 : memref<!tpu.dma_semaphore, #tpu.memory_space<semaphore_mem>>)
      } else {
      }
      %eq3A_104 = arith.constant 2 : i32
      %eq3A_105 = arith.cmpi eq, %add3A, %eq3A_104 : i32
      %convert_element_type3A_106 = arith.extui %eq3A_105 : i1 to i32
      %cond3A_107 = arith.constant 0 : i32
      %cond3A_108 = arith.cmpi ne, %convert_element_type3A_106, %cond3A_107 : i32
      scf.if %cond3A_108 {
        %dma_start3A_109 = arith.constant 0 : i32
        %dma_start3A_110 = tpu.memref_slice %arg5[%dma_start3A_109] : memref<7696xi32, #tpu.memory_space<vmem>> -> memref<1616xi32, #tpu.memory_space<vmem>>
        %dma_start3A_111 = arith.constant 998384 : i32
        %dma_start3A_112 = tpu.memref_slice %arg2[%dma_start3A_111] : memref<1000000xi32, #tpu.memory_space<hbm>> -> memref<1616xi32, #tpu.memory_space<hbm>>
        %dma_start3A_113 = arith.constant 0 : i32
        %dma_start3A_114 = tpu.memref_slice %arg5[%dma_start3A_113] : memref<7696xi32, #tpu.memory_space<vmem>> -> memref<1616xi32, #tpu.memory_space<vmem>>
        %dma_start3A_115 = arith.constant 998384 : i32
        %dma_start3A_116 = tpu.memref_slice %arg2[%dma_start3A_115] : memref<1000000xi32, #tpu.memory_space<hbm>> -> memref<1616xi32, #tpu.memory_space<hbm>>
        tpu.enqueue_dma source(%dma_start3A_116 : memref<1616xi32, #tpu.memory_space<hbm>>) target(%dma_start3A_114 : memref<1616xi32, #tpu.memory_space<vmem>>) target_semaphore(%arg10 : memref<!tpu.dma_semaphore, #tpu.memory_space<semaphore_mem>>)
      } else {
      }
    } else {
    }
    %gt3A_31 = arith.constant 3 : i32
    %gt3A_32 = arith.cmpi sgt, %select_n3A, %gt3A_31 : i32
    %convert_element_type3A_33 = arith.extui %gt3A_32 : i1 to i32
    %cond3A_34 = arith.constant 0 : i32
    %cond3A_35 = arith.cmpi ne, %convert_element_type3A_33, %cond3A_34 : i32
    scf.if %cond3A_35 {
      %add3A_65 = arith.constant 96 : i32
      %add3A_66 = arith.addi %add3A, %add3A_65 : i32
      %mul3A_67 = arith.constant 7680 : i32
      %mul3A_68 = arith.muli %add3A_66, %mul3A_67 : i32
      %sub3A_69 = arith.constant 16 : i32
      %sub3A_70 = arith.subi %mul3A_68, %sub3A_69 : i32
      %dma_wait3A_71 = tpu.memref_slice %arg2[%sub3A_70] : memref<1000000xi32, #tpu.memory_space<hbm>> -> memref<7696xi32, #tpu.memory_space<hbm>>
      %dma_wait3A_72 = tpu.memref_slice %arg2[%sub3A_70] : memref<1000000xi32, #tpu.memory_space<hbm>> -> memref<7696xi32, #tpu.memory_space<hbm>>
      tpu.wait_dma2 semaphore(%arg11 : memref<!tpu.dma_semaphore, #tpu.memory_space<semaphore_mem>>) src(%dma_wait3A_72 : memref<7696xi32, #tpu.memory_space<hbm>>) dst(%arg6 : memref<7696xi32, #tpu.memory_space<vmem>>)
      %add3A_73 = arith.constant 32 : i32
      %add3A_74 = arith.addi %add3A, %add3A_73 : i32
      %mul3A_75 = arith.constant 60 : i32
      %mul3A_76 = arith.muli %add3A_74, %mul3A_75 : i32
      %dma_wait3A_77 = arith.constant 0 : i32
      %dma_wait3A_78 = arith.constant 0 : i32
      %dma_wait3A_79 = tpu.memref_slice %arg4[%mul3A_76, %dma_wait3A_77, %dma_wait3A_78] : memref<7813x4x128xi32, #tpu.memory_space<hbm>> -> memref<60x4x128xi32, #tpu.memory_space<hbm>>
      %dma_wait3A_80 = arith.constant 0 : i32
      %dma_wait3A_81 = arith.constant 0 : i32
      %dma_wait3A_82 = tpu.memref_slice %arg4[%mul3A_76, %dma_wait3A_80, %dma_wait3A_81] : memref<7813x4x128xi32, #tpu.memory_space<hbm>> -> memref<60x4x128xi32, #tpu.memory_space<hbm>>
      tpu.wait_dma2 semaphore(%arg13 : memref<!tpu.dma_semaphore, #tpu.memory_space<semaphore_mem>>) src(%arg8 : memref<60x4x128xi32, #tpu.memory_space<vmem>>) dst(%dma_wait3A_82 : memref<60x4x128xi32, #tpu.memory_space<hbm>>)
      %add3A_83 = arith.constant 96 : i32
      %add3A_84 = arith.addi %add3A, %add3A_83 : i32
      %mul3A_85 = arith.constant 7680 : i32
      %mul3A_86 = arith.muli %add3A_84, %mul3A_85 : i32
      %parallel_loop3A = arith.constant 0 : i32
      %parallel_loop3A_87 = arith.constant 480 : i32
      %parallel_loop3A_88 = arith.constant 1 : i32
      scf.for %parallel_loop3A_104 = %parallel_loop3A to %parallel_loop3A_87 step %parallel_loop3A_88  : i32 {
        %parallel_loop3A_105 = arith.constant 16 : i32
        %parallel_loop3A_106 = arith.muli %parallel_loop3A_104, %parallel_loop3A_105 : i32
        %parallel_loop3A_107 = arith.constant 16 : i32
        %parallel_loop3A_108 = arith.addi %parallel_loop3A_106, %parallel_loop3A_107 : i32
        %parallel_loop3A_109 = arith.index_cast %parallel_loop3A_108 : i32 to index
        %parallel_loop3A_110 = tpu.vector_load %arg6[%parallel_loop3A_109] {strides = array<i32>} : memref<7696xi32, #tpu.memory_space<vmem>>, vector<16xi32>,
        %parallel_loop3A_111 = arith.constant 16 : i32
        %parallel_loop3A_112 = arith.addi %parallel_loop3A_106, %parallel_loop3A_111 : i32
        %parallel_loop3A_113 = arith.constant 1 : i32
        %parallel_loop3A_114 = arith.subi %parallel_loop3A_112, %parallel_loop3A_113 : i32
        %parallel_loop3A_115 = vector.broadcast %parallel_loop3A_114 : i32 to vector<16xi32>
        %parallel_loop3A_116 = arith.addi %iota3A, %parallel_loop3A_115 : vector<16xi32>
        %parallel_loop3A_117 = tpu.vector_load_idx %arg6[%parallel_loop3A_116] : memref<7696xi32, #tpu.memory_space<vmem>>[vector<16xi32>], vector<16xi32>,
        %parallel_loop3A_118 = arith.addi %mul3A_86, %parallel_loop3A_106 : i32
        %parallel_loop3A_119 = vector.broadcast %parallel_loop3A_118 : i32 to vector<16xi32>
        %parallel_loop3A_120 = arith.addi %iota3A, %parallel_loop3A_119 : vector<16xi32>
        %parallel_loop3A_121 = arith.cmpi ne, %parallel_loop3A_110, %parallel_loop3A_117 : vector<16xi32>
        %parallel_loop3A_122 = arith.constant 0 : i32
        %parallel_loop3A_123 = vector.broadcast %parallel_loop3A_122 : i32 to vector<16xi32>
        %parallel_loop3A_124 = arith.cmpi eq, %parallel_loop3A_120, %parallel_loop3A_123 : vector<16xi32>
        %parallel_loop3A_125 = arith.ori %parallel_loop3A_121, %parallel_loop3A_124 : vector<16xi1>
        %parallel_loop3A_126 = arith.constant 1 : i32
        %parallel_loop3A_127 = arith.constant 0 : i32
        %parallel_loop3A_128 = vector.broadcast %parallel_loop3A_126 : i32 to vector<16xi32>
        %parallel_loop3A_129 = vector.broadcast %parallel_loop3A_127 : i32 to vector<16xi32>
        %parallel_loop3A_130 = arith.select %parallel_loop3A_125, %parallel_loop3A_128, %parallel_loop3A_129 : vector<16xi1>, vector<16xi32>
        %parallel_loop3A_131 = arith.constant 0 : i32
        %parallel_loop3A_132 = vector.broadcast %parallel_loop3A_131 : i32 to vector<16xi32>
        %parallel_loop3A_133 = arith.cmpi eq, %parallel_loop3A_110, %parallel_loop3A_132 : vector<16xi32>
        %parallel_loop3A_134 = arith.constant 1 : i32
        %parallel_loop3A_135 = arith.constant 0 : i32
        %parallel_loop3A_136 = vector.broadcast %parallel_loop3A_134 : i32 to vector<16xi32>
        %parallel_loop3A_137 = vector.broadcast %parallel_loop3A_135 : i32 to vector<16xi32>
        %parallel_loop3A_138 = arith.select %parallel_loop3A_133, %parallel_loop3A_136, %parallel_loop3A_137 : vector<16xi1>, vector<16xi32>
        %parallel_loop3A_139 = arith.constant 0 : i32
        %parallel_loop3A_140 = vector.broadcast %parallel_loop3A_139 : i32 to vector<16xi32>
        %parallel_loop3A_141 = arith.cmpi sgt, %parallel_loop3A_110, %parallel_loop3A_140 : vector<16xi32>
        %parallel_loop3A_142 = arith.cmpi slt, %parallel_loop3A_110, %get3A_15 : vector<16xi32>
        %parallel_loop3A_143 = arith.andi %parallel_loop3A_141, %parallel_loop3A_142 : vector<16xi1>
        %parallel_loop3A_144 = arith.constant 1 : i32
        %parallel_loop3A_145 = arith.constant 0 : i32
        %parallel_loop3A_146 = vector.broadcast %parallel_loop3A_144 : i32 to vector<16xi32>
        %parallel_loop3A_147 = vector.broadcast %parallel_loop3A_145 : i32 to vector<16xi32>
        %parallel_loop3A_148 = arith.select %parallel_loop3A_143, %parallel_loop3A_146, %parallel_loop3A_147 : vector<16xi1>, vector<16xi32>
        %parallel_loop3A_149 = arith.cmpi eq, %parallel_loop3A_110, %get3A_15 : vector<16xi32>
        %parallel_loop3A_150 = arith.constant 1 : i32
        %parallel_loop3A_151 = arith.constant 0 : i32
        %parallel_loop3A_152 = vector.broadcast %parallel_loop3A_150 : i32 to vector<16xi32>
        %parallel_loop3A_153 = vector.broadcast %parallel_loop3A_151 : i32 to vector<16xi32>
        %parallel_loop3A_154 = arith.select %parallel_loop3A_149, %parallel_loop3A_152, %parallel_loop3A_153 : vector<16xi1>, vector<16xi32>
        %parallel_loop3A_155 = arith.constant 3 : i32
        %parallel_loop3A_156 = arith.shrsi %parallel_loop3A_104, %parallel_loop3A_155 : i32
        %parallel_loop3A_157 = arith.constant 7 : i32
        %parallel_loop3A_158 = arith.andi %parallel_loop3A_104, %parallel_loop3A_157 : i32
        %parallel_loop3A_159 = arith.constant 16 : i32
        %parallel_loop3A_160 = arith.muli %parallel_loop3A_158, %parallel_loop3A_159 : i32
        %parallel_loop3A_161 = arith.constant 0 : i32
        %parallel_loop3A_162 = arith.index_cast %parallel_loop3A_156 : i32 to index
        %parallel_loop3A_163 = arith.index_cast %parallel_loop3A_161 : i32 to index
        %parallel_loop3A_164 = arith.index_cast %parallel_loop3A_160 : i32 to index
        %parallel_loop3A_165 = tpu.vector_load %arg8[%parallel_loop3A_162, %parallel_loop3A_163, %parallel_loop3A_164] {strides = array<i32>} : memref<60x4x128xi32, #tpu.memory_space<vmem>>, vector<16xi32>,
        tpu.vector_store %arg8[%parallel_loop3A_162, %parallel_loop3A_163, %parallel_loop3A_164], %parallel_loop3A_130 {strides = array<i32>} : memref<60x4x128xi32, #tpu.memory_space<vmem>>, vector<16xi32>,
        %parallel_loop3A_166 = arith.constant 1 : i32
        %parallel_loop3A_167 = arith.index_cast %parallel_loop3A_156 : i32 to index
        %parallel_loop3A_168 = arith.index_cast %parallel_loop3A_166 : i32 to index
        %parallel_loop3A_169 = arith.index_cast %parallel_loop3A_160 : i32 to index
        %parallel_loop3A_170 = tpu.vector_load %arg8[%parallel_loop3A_167, %parallel_loop3A_168, %parallel_loop3A_169] {strides = array<i32>} : memref<60x4x128xi32, #tpu.memory_space<vmem>>, vector<16xi32>,
        tpu.vector_store %arg8[%parallel_loop3A_167, %parallel_loop3A_168, %parallel_loop3A_169], %parallel_loop3A_138 {strides = array<i32>} : memref<60x4x128xi32, #tpu.memory_space<vmem>>, vector<16xi32>,
        %parallel_loop3A_171 = arith.constant 2 : i32
        %parallel_loop3A_172 = arith.index_cast %parallel_loop3A_156 : i32 to index
        %parallel_loop3A_173 = arith.index_cast %parallel_loop3A_171 : i32 to index
        %parallel_loop3A_174 = arith.index_cast %parallel_loop3A_160 : i32 to index
        %parallel_loop3A_175 = tpu.vector_load %arg8[%parallel_loop3A_172, %parallel_loop3A_173, %parallel_loop3A_174] {strides = array<i32>} : memref<60x4x128xi32, #tpu.memory_space<vmem>>, vector<16xi32>,
        tpu.vector_store %arg8[%parallel_loop3A_172, %parallel_loop3A_173, %parallel_loop3A_174], %parallel_loop3A_148 {strides = array<i32>} : memref<60x4x128xi32, #tpu.memory_space<vmem>>, vector<16xi32>,
        %parallel_loop3A_176 = arith.constant 3 : i32
        %parallel_loop3A_177 = arith.index_cast %parallel_loop3A_156 : i32 to index
        %parallel_loop3A_178 = arith.index_cast %parallel_loop3A_176 : i32 to index
        %parallel_loop3A_179 = arith.index_cast %parallel_loop3A_160 : i32 to index
        %parallel_loop3A_180 = tpu.vector_load %arg8[%parallel_loop3A_177, %parallel_loop3A_178, %parallel_loop3A_179] {strides = array<i32>} : memref<60x4x128xi32, #tpu.memory_space<vmem>>, vector<16xi32>,
        tpu.vector_store %arg8[%parallel_loop3A_177, %parallel_loop3A_178, %parallel_loop3A_179], %parallel_loop3A_154 {strides = array<i32>} : memref<60x4x128xi32, #tpu.memory_space<vmem>>, vector<16xi32>,
      } {sc.loop_unroll_factor = 4 : i64, sc.parallel_access}
      %add3A_89 = arith.constant 96 : i32
      %add3A_90 = arith.addi %add3A, %add3A_89 : i32
      %mul3A_91 = arith.constant 60 : i32
      %mul3A_92 = arith.muli %add3A_90, %mul3A_91 : i32
      %dma_start3A_93 = arith.constant 0 : i32
      %dma_start3A_94 = arith.constant 0 : i32
      %dma_start3A_95 = tpu.memref_slice %arg4[%mul3A_92, %dma_start3A_93, %dma_start3A_94] : memref<7813x4x128xi32, #tpu.memory_space<hbm>> -> memref<60x4x128xi32, #tpu.memory_space<hbm>>
      %dma_start3A_96 = arith.constant 0 : i32
      %dma_start3A_97 = arith.constant 0 : i32
      %dma_start3A_98 = tpu.memref_slice %arg4[%mul3A_92, %dma_start3A_96, %dma_start3A_97] : memref<7813x4x128xi32, #tpu.memory_space<hbm>> -> memref<60x4x128xi32, #tpu.memory_space<hbm>>
      tpu.enqueue_dma source(%arg8 : memref<60x4x128xi32, #tpu.memory_space<vmem>>) target(%dma_start3A_98 : memref<60x4x128xi32, #tpu.memory_space<hbm>>) target_semaphore(%arg13 : memref<!tpu.dma_semaphore, #tpu.memory_space<semaphore_mem>>)
      %gt3A_99 = arith.constant 5 : i32
      %gt3A_100 = arith.cmpi sgt, %select_n3A, %gt3A_99 : i32
      %convert_element_type3A_101 = arith.extui %gt3A_100 : i1 to i32
      %cond3A_102 = arith.constant 0 : i32
      %cond3A_103 = arith.cmpi ne, %convert_element_type3A_101, %cond3A_102 : i32
      scf.if %cond3A_103 {
        %add3A_104 = arith.constant 160 : i32
        %add3A_105 = arith.addi %add3A, %add3A_104 : i32
        %mul3A_106 = arith.constant 7680 : i32
        %mul3A_107 = arith.muli %add3A_105, %mul3A_106 : i32
        %sub3A_108 = arith.constant 16 : i32
        %sub3A_109 = arith.subi %mul3A_107, %sub3A_108 : i32
        %dma_start3A_110 = tpu.memref_slice %arg2[%sub3A_109] : memref<1000000xi32, #tpu.memory_space<hbm>> -> memref<7696xi32, #tpu.memory_space<hbm>>
        %dma_start3A_111 = tpu.memref_slice %arg2[%sub3A_109] : memref<1000000xi32, #tpu.memory_space<hbm>> -> memref<7696xi32, #tpu.memory_space<hbm>>
        tpu.enqueue_dma source(%dma_start3A_111 : memref<7696xi32, #tpu.memory_space<hbm>>) target(%arg6 : memref<7696xi32, #tpu.memory_space<vmem>>) target_semaphore(%arg11 : memref<!tpu.dma_semaphore, #tpu.memory_space<semaphore_mem>>)
      } else {
      }
    } else {
    }
    %gt3A_36 = arith.constant 4 : i32
    %gt3A_37 = arith.cmpi sgt, %select_n3A, %gt3A_36 : i32
    %convert_element_type3A_38 = arith.extui %gt3A_37 : i1 to i32
    %cond3A_39 = arith.constant 0 : i32
    %cond3A_40 = arith.cmpi ne, %convert_element_type3A_38, %cond3A_39 : i32
    scf.if %cond3A_40 {
      %add3A_65 = arith.constant 128 : i32
      %add3A_66 = arith.addi %add3A, %add3A_65 : i32
      %mul3A_67 = arith.constant 7680 : i32
      %mul3A_68 = arith.muli %add3A_66, %mul3A_67 : i32
      %sub3A_69 = arith.constant 16 : i32
      %sub3A_70 = arith.subi %mul3A_68, %sub3A_69 : i32
      %dma_wait3A_71 = tpu.memref_slice %arg2[%sub3A_70] : memref<1000000xi32, #tpu.memory_space<hbm>> -> memref<7696xi32, #tpu.memory_space<hbm>>
      %dma_wait3A_72 = tpu.memref_slice %arg2[%sub3A_70] : memref<1000000xi32, #tpu.memory_space<hbm>> -> memref<7696xi32, #tpu.memory_space<hbm>>
      tpu.wait_dma2 semaphore(%arg10 : memref<!tpu.dma_semaphore, #tpu.memory_space<semaphore_mem>>) src(%dma_wait3A_72 : memref<7696xi32, #tpu.memory_space<hbm>>) dst(%arg5 : memref<7696xi32, #tpu.memory_space<vmem>>)
      %add3A_73 = arith.constant 64 : i32
      %add3A_74 = arith.addi %add3A, %add3A_73 : i32
      %mul3A_75 = arith.constant 60 : i32
      %mul3A_76 = arith.muli %add3A_74, %mul3A_75 : i32
      %dma_wait3A_77 = arith.constant 0 : i32
      %dma_wait3A_78 = arith.constant 0 : i32
      %dma_wait3A_79 = tpu.memref_slice %arg4[%mul3A_76, %dma_wait3A_77, %dma_wait3A_78] : memref<7813x4x128xi32, #tpu.memory_space<hbm>> -> memref<60x4x128xi32, #tpu.memory_space<hbm>>
      %dma_wait3A_80 = arith.constant 0 : i32
      %dma_wait3A_81 = arith.constant 0 : i32
      %dma_wait3A_82 = tpu.memref_slice %arg4[%mul3A_76, %dma_wait3A_80, %dma_wait3A_81] : memref<7813x4x128xi32, #tpu.memory_space<hbm>> -> memref<60x4x128xi32, #tpu.memory_space<hbm>>
      tpu.wait_dma2 semaphore(%arg12 : memref<!tpu.dma_semaphore, #tpu.memory_space<semaphore_mem>>) src(%arg7 : memref<60x4x128xi32, #tpu.memory_space<vmem>>) dst(%dma_wait3A_82 : memref<60x4x128xi32, #tpu.memory_space<hbm>>)
      %add3A_83 = arith.constant 128 : i32
      %add3A_84 = arith.addi %add3A, %add3A_83 : i32
      %mul3A_85 = arith.constant 7680 : i32
      %mul3A_86 = arith.muli %add3A_84, %mul3A_85 : i32
      %parallel_loop3A = arith.constant 0 : i32
      %parallel_loop3A_87 = arith.constant 480 : i32
      %parallel_loop3A_88 = arith.constant 1 : i32
      scf.for %parallel_loop3A_104 = %parallel_loop3A to %parallel_loop3A_87 step %parallel_loop3A_88  : i32 {
        %parallel_loop3A_105 = arith.constant 16 : i32
        %parallel_loop3A_106 = arith.muli %parallel_loop3A_104, %parallel_loop3A_105 : i32
        %parallel_loop3A_107 = arith.constant 16 : i32
        %parallel_loop3A_108 = arith.addi %parallel_loop3A_106, %parallel_loop3A_107 : i32
        %parallel_loop3A_109 = arith.index_cast %parallel_loop3A_108 : i32 to index
        %parallel_loop3A_110 = tpu.vector_load %arg5[%parallel_loop3A_109] {strides = array<i32>} : memref<7696xi32, #tpu.memory_space<vmem>>, vector<16xi32>,
        %parallel_loop3A_111 = arith.constant 16 : i32
        %parallel_loop3A_112 = arith.addi %parallel_loop3A_106, %parallel_loop3A_111 : i32
        %parallel_loop3A_113 = arith.constant 1 : i32
        %parallel_loop3A_114 = arith.subi %parallel_loop3A_112, %parallel_loop3A_113 : i32
        %parallel_loop3A_115 = vector.broadcast %parallel_loop3A_114 : i32 to vector<16xi32>
        %parallel_loop3A_116 = arith.addi %iota3A, %parallel_loop3A_115 : vector<16xi32>
        %parallel_loop3A_117 = tpu.vector_load_idx %arg5[%parallel_loop3A_116] : memref<7696xi32, #tpu.memory_space<vmem>>[vector<16xi32>], vector<16xi32>,
        %parallel_loop3A_118 = arith.addi %mul3A_86, %parallel_loop3A_106 : i32
        %parallel_loop3A_119 = vector.broadcast %parallel_loop3A_118 : i32 to vector<16xi32>
        %parallel_loop3A_120 = arith.addi %iota3A, %parallel_loop3A_119 : vector<16xi32>
        %parallel_loop3A_121 = arith.cmpi ne, %parallel_loop3A_110, %parallel_loop3A_117 : vector<16xi32>
        %parallel_loop3A_122 = arith.constant 0 : i32
        %parallel_loop3A_123 = vector.broadcast %parallel_loop3A_122 : i32 to vector<16xi32>
        %parallel_loop3A_124 = arith.cmpi eq, %parallel_loop3A_120, %parallel_loop3A_123 : vector<16xi32>
        %parallel_loop3A_125 = arith.ori %parallel_loop3A_121, %parallel_loop3A_124 : vector<16xi1>
        %parallel_loop3A_126 = arith.constant 1 : i32
        %parallel_loop3A_127 = arith.constant 0 : i32
        %parallel_loop3A_128 = vector.broadcast %parallel_loop3A_126 : i32 to vector<16xi32>
        %parallel_loop3A_129 = vector.broadcast %parallel_loop3A_127 : i32 to vector<16xi32>
        %parallel_loop3A_130 = arith.select %parallel_loop3A_125, %parallel_loop3A_128, %parallel_loop3A_129 : vector<16xi1>, vector<16xi32>
        %parallel_loop3A_131 = arith.constant 0 : i32
        %parallel_loop3A_132 = vector.broadcast %parallel_loop3A_131 : i32 to vector<16xi32>
        %parallel_loop3A_133 = arith.cmpi eq, %parallel_loop3A_110, %parallel_loop3A_132 : vector<16xi32>
        %parallel_loop3A_134 = arith.constant 1 : i32
        %parallel_loop3A_135 = arith.constant 0 : i32
        %parallel_loop3A_136 = vector.broadcast %parallel_loop3A_134 : i32 to vector<16xi32>
        %parallel_loop3A_137 = vector.broadcast %parallel_loop3A_135 : i32 to vector<16xi32>
        %parallel_loop3A_138 = arith.select %parallel_loop3A_133, %parallel_loop3A_136, %parallel_loop3A_137 : vector<16xi1>, vector<16xi32>
        %parallel_loop3A_139 = arith.constant 0 : i32
        %parallel_loop3A_140 = vector.broadcast %parallel_loop3A_139 : i32 to vector<16xi32>
        %parallel_loop3A_141 = arith.cmpi sgt, %parallel_loop3A_110, %parallel_loop3A_140 : vector<16xi32>
        %parallel_loop3A_142 = arith.cmpi slt, %parallel_loop3A_110, %get3A_15 : vector<16xi32>
        %parallel_loop3A_143 = arith.andi %parallel_loop3A_141, %parallel_loop3A_142 : vector<16xi1>
        %parallel_loop3A_144 = arith.constant 1 : i32
        %parallel_loop3A_145 = arith.constant 0 : i32
        %parallel_loop3A_146 = vector.broadcast %parallel_loop3A_144 : i32 to vector<16xi32>
        %parallel_loop3A_147 = vector.broadcast %parallel_loop3A_145 : i32 to vector<16xi32>
        %parallel_loop3A_148 = arith.select %parallel_loop3A_143, %parallel_loop3A_146, %parallel_loop3A_147 : vector<16xi1>, vector<16xi32>
        %parallel_loop3A_149 = arith.cmpi eq, %parallel_loop3A_110, %get3A_15 : vector<16xi32>
        %parallel_loop3A_150 = arith.constant 1 : i32
        %parallel_loop3A_151 = arith.constant 0 : i32
        %parallel_loop3A_152 = vector.broadcast %parallel_loop3A_150 : i32 to vector<16xi32>
        %parallel_loop3A_153 = vector.broadcast %parallel_loop3A_151 : i32 to vector<16xi32>
        %parallel_loop3A_154 = arith.select %parallel_loop3A_149, %parallel_loop3A_152, %parallel_loop3A_153 : vector<16xi1>, vector<16xi32>
        %parallel_loop3A_155 = arith.constant 3 : i32
        %parallel_loop3A_156 = arith.shrsi %parallel_loop3A_104, %parallel_loop3A_155 : i32
        %parallel_loop3A_157 = arith.constant 7 : i32
        %parallel_loop3A_158 = arith.andi %parallel_loop3A_104, %parallel_loop3A_157 : i32
        %parallel_loop3A_159 = arith.constant 16 : i32
        %parallel_loop3A_160 = arith.muli %parallel_loop3A_158, %parallel_loop3A_159 : i32
        %parallel_loop3A_161 = arith.constant 0 : i32
        %parallel_loop3A_162 = arith.index_cast %parallel_loop3A_156 : i32 to index
        %parallel_loop3A_163 = arith.index_cast %parallel_loop3A_161 : i32 to index
        %parallel_loop3A_164 = arith.index_cast %parallel_loop3A_160 : i32 to index
        %parallel_loop3A_165 = tpu.vector_load %arg7[%parallel_loop3A_162, %parallel_loop3A_163, %parallel_loop3A_164] {strides = array<i32>} : memref<60x4x128xi32, #tpu.memory_space<vmem>>, vector<16xi32>,
        tpu.vector_store %arg7[%parallel_loop3A_162, %parallel_loop3A_163, %parallel_loop3A_164], %parallel_loop3A_130 {strides = array<i32>} : memref<60x4x128xi32, #tpu.memory_space<vmem>>, vector<16xi32>,
        %parallel_loop3A_166 = arith.constant 1 : i32
        %parallel_loop3A_167 = arith.index_cast %parallel_loop3A_156 : i32 to index
        %parallel_loop3A_168 = arith.index_cast %parallel_loop3A_166 : i32 to index
        %parallel_loop3A_169 = arith.index_cast %parallel_loop3A_160 : i32 to index
        %parallel_loop3A_170 = tpu.vector_load %arg7[%parallel_loop3A_167, %parallel_loop3A_168, %parallel_loop3A_169] {strides = array<i32>} : memref<60x4x128xi32, #tpu.memory_space<vmem>>, vector<16xi32>,
        tpu.vector_store %arg7[%parallel_loop3A_167, %parallel_loop3A_168, %parallel_loop3A_169], %parallel_loop3A_138 {strides = array<i32>} : memref<60x4x128xi32, #tpu.memory_space<vmem>>, vector<16xi32>,
        %parallel_loop3A_171 = arith.constant 2 : i32
        %parallel_loop3A_172 = arith.index_cast %parallel_loop3A_156 : i32 to index
        %parallel_loop3A_173 = arith.index_cast %parallel_loop3A_171 : i32 to index
        %parallel_loop3A_174 = arith.index_cast %parallel_loop3A_160 : i32 to index
        %parallel_loop3A_175 = tpu.vector_load %arg7[%parallel_loop3A_172, %parallel_loop3A_173, %parallel_loop3A_174] {strides = array<i32>} : memref<60x4x128xi32, #tpu.memory_space<vmem>>, vector<16xi32>,
        tpu.vector_store %arg7[%parallel_loop3A_172, %parallel_loop3A_173, %parallel_loop3A_174], %parallel_loop3A_148 {strides = array<i32>} : memref<60x4x128xi32, #tpu.memory_space<vmem>>, vector<16xi32>,
        %parallel_loop3A_176 = arith.constant 3 : i32
        %parallel_loop3A_177 = arith.index_cast %parallel_loop3A_156 : i32 to index
        %parallel_loop3A_178 = arith.index_cast %parallel_loop3A_176 : i32 to index
        %parallel_loop3A_179 = arith.index_cast %parallel_loop3A_160 : i32 to index
        %parallel_loop3A_180 = tpu.vector_load %arg7[%parallel_loop3A_177, %parallel_loop3A_178, %parallel_loop3A_179] {strides = array<i32>} : memref<60x4x128xi32, #tpu.memory_space<vmem>>, vector<16xi32>,
        tpu.vector_store %arg7[%parallel_loop3A_177, %parallel_loop3A_178, %parallel_loop3A_179], %parallel_loop3A_154 {strides = array<i32>} : memref<60x4x128xi32, #tpu.memory_space<vmem>>, vector<16xi32>,
      } {sc.loop_unroll_factor = 4 : i64, sc.parallel_access}
      %add3A_89 = arith.constant 128 : i32
      %add3A_90 = arith.addi %add3A, %add3A_89 : i32
      %mul3A_91 = arith.constant 60 : i32
      %mul3A_92 = arith.muli %add3A_90, %mul3A_91 : i32
      %dma_start3A_93 = arith.constant 0 : i32
      %dma_start3A_94 = arith.constant 0 : i32
      %dma_start3A_95 = tpu.memref_slice %arg4[%mul3A_92, %dma_start3A_93, %dma_start3A_94] : memref<7813x4x128xi32, #tpu.memory_space<hbm>> -> memref<60x4x128xi32, #tpu.memory_space<hbm>>
      %dma_start3A_96 = arith.constant 0 : i32
      %dma_start3A_97 = arith.constant 0 : i32
      %dma_start3A_98 = tpu.memref_slice %arg4[%mul3A_92, %dma_start3A_96, %dma_start3A_97] : memref<7813x4x128xi32, #tpu.memory_space<hbm>> -> memref<60x4x128xi32, #tpu.memory_space<hbm>>
      tpu.enqueue_dma source(%arg7 : memref<60x4x128xi32, #tpu.memory_space<vmem>>) target(%dma_start3A_98 : memref<60x4x128xi32, #tpu.memory_space<hbm>>) target_semaphore(%arg12 : memref<!tpu.dma_semaphore, #tpu.memory_space<semaphore_mem>>)
      %gt3A_99 = arith.constant 6 : i32
      %gt3A_100 = arith.cmpi sgt, %select_n3A, %gt3A_99 : i32
      %convert_element_type3A_101 = arith.extui %gt3A_100 : i1 to i32
      %cond3A_102 = arith.constant 0 : i32
      %cond3A_103 = arith.cmpi ne, %convert_element_type3A_101, %cond3A_102 : i32
      scf.if %cond3A_103 {
        %add3A_104 = arith.constant 192 : i32
        %add3A_105 = arith.addi %add3A, %add3A_104 : i32
        %mul3A_106 = arith.constant 7680 : i32
        %mul3A_107 = arith.muli %add3A_105, %mul3A_106 : i32
        %sub3A_108 = arith.constant 16 : i32
        %sub3A_109 = arith.subi %mul3A_107, %sub3A_108 : i32
        %dma_start3A_110 = tpu.memref_slice %arg2[%sub3A_109] : memref<1000000xi32, #tpu.memory_space<hbm>> -> memref<7696xi32, #tpu.memory_space<hbm>>
        %dma_start3A_111 = tpu.memref_slice %arg2[%sub3A_109] : memref<1000000xi32, #tpu.memory_space<hbm>> -> memref<7696xi32, #tpu.memory_space<hbm>>
        tpu.enqueue_dma source(%dma_start3A_111 : memref<7696xi32, #tpu.memory_space<hbm>>) target(%arg5 : memref<7696xi32, #tpu.memory_space<vmem>>) target_semaphore(%arg10 : memref<!tpu.dma_semaphore, #tpu.memory_space<semaphore_mem>>)
      } else {
      }
    } else {
    }
    %eq3A_41 = arith.constant 2 : i32
    %eq3A_42 = arith.cmpi eq, %add3A, %eq3A_41 : i32
    %convert_element_type3A_43 = arith.extui %eq3A_42 : i1 to i32
    %cond3A_44 = arith.constant 0 : i32
    %cond3A_45 = arith.cmpi ne, %convert_element_type3A_43, %cond3A_44 : i32
    scf.if %cond3A_45 {
      %dma_wait3A_65 = arith.constant 0 : i32
      %dma_wait3A_66 = tpu.memref_slice %arg5[%dma_wait3A_65] : memref<7696xi32, #tpu.memory_space<vmem>> -> memref<1616xi32, #tpu.memory_space<vmem>>
      %dma_wait3A_67 = arith.constant 998384 : i32
      %dma_wait3A_68 = tpu.memref_slice %arg2[%dma_wait3A_67] : memref<1000000xi32, #tpu.memory_space<hbm>> -> memref<1616xi32, #tpu.memory_space<hbm>>
      %dma_wait3A_69 = arith.constant 0 : i32
      %dma_wait3A_70 = tpu.memref_slice %arg5[%dma_wait3A_69] : memref<7696xi32, #tpu.memory_space<vmem>> -> memref<1616xi32, #tpu.memory_space<vmem>>
      %dma_wait3A_71 = arith.constant 998384 : i32
      %dma_wait3A_72 = tpu.memref_slice %arg2[%dma_wait3A_71] : memref<1000000xi32, #tpu.memory_space<hbm>> -> memref<1616xi32, #tpu.memory_space<hbm>>
      tpu.wait_dma2 semaphore(%arg10 : memref<!tpu.dma_semaphore, #tpu.memory_space<semaphore_mem>>) src(%dma_wait3A_72 : memref<1616xi32, #tpu.memory_space<hbm>>) dst(%dma_wait3A_70 : memref<1616xi32, #tpu.memory_space<vmem>>)
      %add3A_73 = arith.constant 64 : i32
      %add3A_74 = arith.addi %add3A, %add3A_73 : i32
      %mul3A_75 = arith.constant 60 : i32
      %mul3A_76 = arith.muli %add3A_74, %mul3A_75 : i32
      %dma_wait3A_77 = arith.constant 0 : i32
      %dma_wait3A_78 = arith.constant 0 : i32
      %dma_wait3A_79 = tpu.memref_slice %arg4[%mul3A_76, %dma_wait3A_77, %dma_wait3A_78] : memref<7813x4x128xi32, #tpu.memory_space<hbm>> -> memref<60x4x128xi32, #tpu.memory_space<hbm>>
      %dma_wait3A_80 = arith.constant 0 : i32
      %dma_wait3A_81 = arith.constant 0 : i32
      %dma_wait3A_82 = tpu.memref_slice %arg4[%mul3A_76, %dma_wait3A_80, %dma_wait3A_81] : memref<7813x4x128xi32, #tpu.memory_space<hbm>> -> memref<60x4x128xi32, #tpu.memory_space<hbm>>
      tpu.wait_dma2 semaphore(%arg12 : memref<!tpu.dma_semaphore, #tpu.memory_space<semaphore_mem>>) src(%arg7 : memref<60x4x128xi32, #tpu.memory_space<vmem>>) dst(%dma_wait3A_82 : memref<60x4x128xi32, #tpu.memory_space<hbm>>)
      %parallel_loop3A = arith.constant 0 : i32
      %parallel_loop3A_83 = arith.constant 100 : i32
      %parallel_loop3A_84 = arith.constant 1 : i32
      scf.for %parallel_loop3A_117 = %parallel_loop3A to %parallel_loop3A_83 step %parallel_loop3A_84  : i32 {
        %parallel_loop3A_118 = arith.constant 16 : i32
        %parallel_loop3A_119 = arith.muli %parallel_loop3A_117, %parallel_loop3A_118 : i32
        %parallel_loop3A_120 = arith.constant 16 : i32
        %parallel_loop3A_121 = arith.addi %parallel_loop3A_119, %parallel_loop3A_120 : i32
        %parallel_loop3A_122 = arith.index_cast %parallel_loop3A_121 : i32 to index
        %parallel_loop3A_123 = tpu.vector_load %arg5[%parallel_loop3A_122] {strides = array<i32>} : memref<7696xi32, #tpu.memory_space<vmem>>, vector<16xi32>,
        %parallel_loop3A_124 = arith.constant 16 : i32
        %parallel_loop3A_125 = arith.addi %parallel_loop3A_119, %parallel_loop3A_124 : i32
        %parallel_loop3A_126 = arith.constant 1 : i32
        %parallel_loop3A_127 = arith.subi %parallel_loop3A_125, %parallel_loop3A_126 : i32
        %parallel_loop3A_128 = vector.broadcast %parallel_loop3A_127 : i32 to vector<16xi32>
        %parallel_loop3A_129 = arith.addi %iota3A, %parallel_loop3A_128 : vector<16xi32>
        %parallel_loop3A_130 = tpu.vector_load_idx %arg5[%parallel_loop3A_129] : memref<7696xi32, #tpu.memory_space<vmem>>[vector<16xi32>], vector<16xi32>,
        %parallel_loop3A_131 = arith.constant 998400 : i32
        %parallel_loop3A_132 = arith.addi %parallel_loop3A_131, %parallel_loop3A_119 : i32
        %parallel_loop3A_133 = vector.broadcast %parallel_loop3A_132 : i32 to vector<16xi32>
        %parallel_loop3A_134 = arith.addi %iota3A, %parallel_loop3A_133 : vector<16xi32>
        %parallel_loop3A_135 = arith.cmpi ne, %parallel_loop3A_123, %parallel_loop3A_130 : vector<16xi32>
        %parallel_loop3A_136 = arith.constant 0 : i32
        %parallel_loop3A_137 = vector.broadcast %parallel_loop3A_136 : i32 to vector<16xi32>
        %parallel_loop3A_138 = arith.cmpi eq, %parallel_loop3A_134, %parallel_loop3A_137 : vector<16xi32>
        %parallel_loop3A_139 = arith.ori %parallel_loop3A_135, %parallel_loop3A_138 : vector<16xi1>
        %parallel_loop3A_140 = arith.constant 1 : i32
        %parallel_loop3A_141 = arith.constant 0 : i32
        %parallel_loop3A_142 = vector.broadcast %parallel_loop3A_140 : i32 to vector<16xi32>
        %parallel_loop3A_143 = vector.broadcast %parallel_loop3A_141 : i32 to vector<16xi32>
        %parallel_loop3A_144 = arith.select %parallel_loop3A_139, %parallel_loop3A_142, %parallel_loop3A_143 : vector<16xi1>, vector<16xi32>
        %parallel_loop3A_145 = arith.constant 0 : i32
        %parallel_loop3A_146 = vector.broadcast %parallel_loop3A_145 : i32 to vector<16xi32>
        %parallel_loop3A_147 = arith.cmpi eq, %parallel_loop3A_123, %parallel_loop3A_146 : vector<16xi32>
        %parallel_loop3A_148 = arith.constant 1 : i32
        %parallel_loop3A_149 = arith.constant 0 : i32
        %parallel_loop3A_150 = vector.broadcast %parallel_loop3A_148 : i32 to vector<16xi32>
        %parallel_loop3A_151 = vector.broadcast %parallel_loop3A_149 : i32 to vector<16xi32>
        %parallel_loop3A_152 = arith.select %parallel_loop3A_147, %parallel_loop3A_150, %parallel_loop3A_151 : vector<16xi1>, vector<16xi32>
        %parallel_loop3A_153 = arith.constant 0 : i32
        %parallel_loop3A_154 = vector.broadcast %parallel_loop3A_153 : i32 to vector<16xi32>
        %parallel_loop3A_155 = arith.cmpi sgt, %parallel_loop3A_123, %parallel_loop3A_154 : vector<16xi32>
        %parallel_loop3A_156 = arith.cmpi slt, %parallel_loop3A_123, %get3A_15 : vector<16xi32>
        %parallel_loop3A_157 = arith.andi %parallel_loop3A_155, %parallel_loop3A_156 : vector<16xi1>
        %parallel_loop3A_158 = arith.constant 1 : i32
        %parallel_loop3A_159 = arith.constant 0 : i32
        %parallel_loop3A_160 = vector.broadcast %parallel_loop3A_158 : i32 to vector<16xi32>
        %parallel_loop3A_161 = vector.broadcast %parallel_loop3A_159 : i32 to vector<16xi32>
        %parallel_loop3A_162 = arith.select %parallel_loop3A_157, %parallel_loop3A_160, %parallel_loop3A_161 : vector<16xi1>, vector<16xi32>
        %parallel_loop3A_163 = arith.cmpi eq, %parallel_loop3A_123, %get3A_15 : vector<16xi32>
        %parallel_loop3A_164 = arith.constant 1 : i32
        %parallel_loop3A_165 = arith.constant 0 : i32
        %parallel_loop3A_166 = vector.broadcast %parallel_loop3A_164 : i32 to vector<16xi32>
        %parallel_loop3A_167 = vector.broadcast %parallel_loop3A_165 : i32 to vector<16xi32>
        %parallel_loop3A_168 = arith.select %parallel_loop3A_163, %parallel_loop3A_166, %parallel_loop3A_167 : vector<16xi1>, vector<16xi32>
        %parallel_loop3A_169 = arith.constant 3 : i32
        %parallel_loop3A_170 = arith.shrsi %parallel_loop3A_117, %parallel_loop3A_169 : i32
        %parallel_loop3A_171 = arith.constant 7 : i32
        %parallel_loop3A_172 = arith.andi %parallel_loop3A_117, %parallel_loop3A_171 : i32
        %parallel_loop3A_173 = arith.constant 16 : i32
        %parallel_loop3A_174 = arith.muli %parallel_loop3A_172, %parallel_loop3A_173 : i32
        %parallel_loop3A_175 = arith.constant 0 : i32
        %parallel_loop3A_176 = arith.index_cast %parallel_loop3A_170 : i32 to index
        %parallel_loop3A_177 = arith.index_cast %parallel_loop3A_175 : i32 to index
        %parallel_loop3A_178 = arith.index_cast %parallel_loop3A_174 : i32 to index
        %parallel_loop3A_179 = tpu.vector_load %arg7[%parallel_loop3A_176, %parallel_loop3A_177, %parallel_loop3A_178] {strides = array<i32>} : memref<60x4x128xi32, #tpu.memory_space<vmem>>, vector<16xi32>,
        tpu.vector_store %arg7[%parallel_loop3A_176, %parallel_loop3A_177, %parallel_loop3A_178], %parallel_loop3A_144 {strides = array<i32>} : memref<60x4x128xi32, #tpu.memory_space<vmem>>, vector<16xi32>,
        %parallel_loop3A_180 = arith.constant 1 : i32
        %parallel_loop3A_181 = arith.index_cast %parallel_loop3A_170 : i32 to index
        %parallel_loop3A_182 = arith.index_cast %parallel_loop3A_180 : i32 to index
        %parallel_loop3A_183 = arith.index_cast %parallel_loop3A_174 : i32 to index
        %parallel_loop3A_184 = tpu.vector_load %arg7[%parallel_loop3A_181, %parallel_loop3A_182, %parallel_loop3A_183] {strides = array<i32>} : memref<60x4x128xi32, #tpu.memory_space<vmem>>, vector<16xi32>,
        tpu.vector_store %arg7[%parallel_loop3A_181, %parallel_loop3A_182, %parallel_loop3A_183], %parallel_loop3A_152 {strides = array<i32>} : memref<60x4x128xi32, #tpu.memory_space<vmem>>, vector<16xi32>,
        %parallel_loop3A_185 = arith.constant 2 : i32
        %parallel_loop3A_186 = arith.index_cast %parallel_loop3A_170 : i32 to index
        %parallel_loop3A_187 = arith.index_cast %parallel_loop3A_185 : i32 to index
        %parallel_loop3A_188 = arith.index_cast %parallel_loop3A_174 : i32 to index
        %parallel_loop3A_189 = tpu.vector_load %arg7[%parallel_loop3A_186, %parallel_loop3A_187, %parallel_loop3A_188] {strides = array<i32>} : memref<60x4x128xi32, #tpu.memory_space<vmem>>, vector<16xi32>,
        tpu.vector_store %arg7[%parallel_loop3A_186, %parallel_loop3A_187, %parallel_loop3A_188], %parallel_loop3A_162 {strides = array<i32>} : memref<60x4x128xi32, #tpu.memory_space<vmem>>, vector<16xi32>,
        %parallel_loop3A_190 = arith.constant 3 : i32
        %parallel_loop3A_191 = arith.index_cast %parallel_loop3A_170 : i32 to index
        %parallel_loop3A_192 = arith.index_cast %parallel_loop3A_190 : i32 to index
        %parallel_loop3A_193 = arith.index_cast %parallel_loop3A_174 : i32 to index
        %parallel_loop3A_194 = tpu.vector_load %arg7[%parallel_loop3A_191, %parallel_loop3A_192, %parallel_loop3A_193] {strides = array<i32>} : memref<60x4x128xi32, #tpu.memory_space<vmem>>, vector<16xi32>,
        tpu.vector_store %arg7[%parallel_loop3A_191, %parallel_loop3A_192, %parallel_loop3A_193], %parallel_loop3A_168 {strides = array<i32>} : memref<60x4x128xi32, #tpu.memory_space<vmem>>, vector<16xi32>,
      } {sc.loop_unroll_factor = 4 : i64, sc.parallel_access}
      %dma_start3A_85 = arith.constant 0 : i32
      %dma_start3A_86 = arith.constant 0 : i32
      %dma_start3A_87 = arith.constant 0 : i32
      %dma_start3A_88 = tpu.memref_slice %arg7[%dma_start3A_85, %dma_start3A_86, %dma_start3A_87] : memref<60x4x128xi32, #tpu.memory_space<vmem>> -> memref<13x4x128xi32, #tpu.memory_space<vmem>>
      %dma_start3A_89 = arith.constant 7800 : i32
      %dma_start3A_90 = arith.constant 0 : i32
      %dma_start3A_91 = arith.constant 0 : i32
      %dma_start3A_92 = tpu.memref_slice %arg4[%dma_start3A_89, %dma_start3A_90, %dma_start3A_91] : memref<7813x4x128xi32, #tpu.memory_space<hbm>> -> memref<13x4x128xi32, #tpu.memory_space<hbm>>
      %dma_start3A_93 = arith.constant 7800 : i32
      %dma_start3A_94 = arith.constant 0 : i32
      %dma_start3A_95 = arith.constant 0 : i32
      %dma_start3A_96 = tpu.memref_slice %arg4[%dma_start3A_93, %dma_start3A_94, %dma_start3A_95] : memref<7813x4x128xi32, #tpu.memory_space<hbm>> -> memref<13x4x128xi32, #tpu.memory_space<hbm>>
      %dma_start3A_97 = arith.constant 0 : i32
      %dma_start3A_98 = arith.constant 0 : i32
      %dma_start3A_99 = arith.constant 0 : i32
      %dma_start3A_100 = tpu.memref_slice %arg7[%dma_start3A_97, %dma_start3A_98, %dma_start3A_99] : memref<60x4x128xi32, #tpu.memory_space<vmem>> -> memref<13x4x128xi32, #tpu.memory_space<vmem>>
      tpu.enqueue_dma source(%dma_start3A_100 : memref<13x4x128xi32, #tpu.memory_space<vmem>>) target(%dma_start3A_96 : memref<13x4x128xi32, #tpu.memory_space<hbm>>) target_semaphore(%arg12 : memref<!tpu.dma_semaphore, #tpu.memory_space<semaphore_mem>>)
      %dma_wait3A_101 = arith.constant 0 : i32
      %dma_wait3A_102 = arith.constant 0 : i32
      %dma_wait3A_103 = arith.constant 0 : i32
      %dma_wait3A_104 = tpu.memref_slice %arg7[%dma_wait3A_101, %dma_wait3A_102, %dma_wait3A_103] : memref<60x4x128xi32, #tpu.memory_space<vmem>> -> memref<13x4x128xi32, #tpu.memory_space<vmem>>
      %dma_wait3A_105 = arith.constant 7800 : i32
      %dma_wait3A_106 = arith.constant 0 : i32
      %dma_wait3A_107 = arith.constant 0 : i32
      %dma_wait3A_108 = tpu.memref_slice %arg4[%dma_wait3A_105, %dma_wait3A_106, %dma_wait3A_107] : memref<7813x4x128xi32, #tpu.memory_space<hbm>> -> memref<13x4x128xi32, #tpu.memory_space<hbm>>
      %dma_wait3A_109 = arith.constant 7800 : i32
      %dma_wait3A_110 = arith.constant 0 : i32
      %dma_wait3A_111 = arith.constant 0 : i32
      %dma_wait3A_112 = tpu.memref_slice %arg4[%dma_wait3A_109, %dma_wait3A_110, %dma_wait3A_111] : memref<7813x4x128xi32, #tpu.memory_space<hbm>> -> memref<13x4x128xi32, #tpu.memory_space<hbm>>
      %dma_wait3A_113 = arith.constant 0 : i32
      %dma_wait3A_114 = arith.constant 0 : i32
      %dma_wait3A_115 = arith.constant 0 : i32
      %dma_wait3A_116 = tpu.memref_slice %arg7[%dma_wait3A_113, %dma_wait3A_114, %dma_wait3A_115] : memref<60x4x128xi32, #tpu.memory_space<vmem>> -> memref<13x4x128xi32, #tpu.memory_space<vmem>>
      tpu.wait_dma2 semaphore(%arg12 : memref<!tpu.dma_semaphore, #tpu.memory_space<semaphore_mem>>) src(%dma_wait3A_116 : memref<13x4x128xi32, #tpu.memory_space<vmem>>) dst(%dma_wait3A_112 : memref<13x4x128xi32, #tpu.memory_space<hbm>>)
    } else {
    }
    %lt3A_46 = arith.constant 2 : i32
    %lt3A_47 = arith.cmpi slt, %add3A, %lt3A_46 : i32
    %convert_element_type3A_48 = arith.extui %lt3A_47 : i1 to i32
    %cond3A_49 = arith.constant 0 : i32
    %cond3A_50 = arith.cmpi ne, %convert_element_type3A_48, %cond3A_49 : i32
    scf.if %cond3A_50 {
      %add3A_65 = arith.constant 128 : i32
      %add3A_66 = arith.addi %add3A, %add3A_65 : i32
      %mul3A_67 = arith.constant 60 : i32
      %mul3A_68 = arith.muli %add3A_66, %mul3A_67 : i32
      %dma_wait3A_69 = arith.constant 0 : i32
      %dma_wait3A_70 = arith.constant 0 : i32
      %dma_wait3A_71 = tpu.memref_slice %arg4[%mul3A_68, %dma_wait3A_69, %dma_wait3A_70] : memref<7813x4x128xi32, #tpu.memory_space<hbm>> -> memref<60x4x128xi32, #tpu.memory_space<hbm>>
      %dma_wait3A_72 = arith.constant 0 : i32
      %dma_wait3A_73 = arith.constant 0 : i32
      %dma_wait3A_74 = tpu.memref_slice %arg4[%mul3A_68, %dma_wait3A_72, %dma_wait3A_73] : memref<7813x4x128xi32, #tpu.memory_space<hbm>> -> memref<60x4x128xi32, #tpu.memory_space<hbm>>
      tpu.wait_dma2 semaphore(%arg12 : memref<!tpu.dma_semaphore, #tpu.memory_space<semaphore_mem>>) src(%arg7 : memref<60x4x128xi32, #tpu.memory_space<vmem>>) dst(%dma_wait3A_74 : memref<60x4x128xi32, #tpu.memory_space<hbm>>)
    } else {
    }
    %gt3A_51 = arith.constant 2 : i32
    %gt3A_52 = arith.cmpi sgt, %add3A, %gt3A_51 : i32
    %convert_element_type3A_53 = arith.extui %gt3A_52 : i1 to i32
    %cond3A_54 = arith.constant 0 : i32
    %cond3A_55 = arith.cmpi ne, %convert_element_type3A_53, %cond3A_54 : i32
    scf.if %cond3A_55 {
      %add3A_65 = arith.constant 64 : i32
      %add3A_66 = arith.addi %add3A, %add3A_65 : i32
      %mul3A_67 = arith.constant 60 : i32
      %mul3A_68 = arith.muli %add3A_66, %mul3A_67 : i32
      %dma_wait3A_69 = arith.constant 0 : i32
      %dma_wait3A_70 = arith.constant 0 : i32
      %dma_wait3A_71 = tpu.memref_slice %arg4[%mul3A_68, %dma_wait3A_69, %dma_wait3A_70] : memref<7813x4x128xi32, #tpu.memory_space<hbm>> -> memref<60x4x128xi32, #tpu.memory_space<hbm>>
      %dma_wait3A_72 = arith.constant 0 : i32
      %dma_wait3A_73 = arith.constant 0 : i32
      %dma_wait3A_74 = tpu.memref_slice %arg4[%mul3A_68, %dma_wait3A_72, %dma_wait3A_73] : memref<7813x4x128xi32, #tpu.memory_space<hbm>> -> memref<60x4x128xi32, #tpu.memory_space<hbm>>
      tpu.wait_dma2 semaphore(%arg12 : memref<!tpu.dma_semaphore, #tpu.memory_space<semaphore_mem>>) src(%arg7 : memref<60x4x128xi32, #tpu.memory_space<vmem>>) dst(%dma_wait3A_74 : memref<60x4x128xi32, #tpu.memory_space<hbm>>)
    } else {
    }
    %add3A_56 = arith.constant 96 : i32
    %add3A_57 = arith.addi %add3A, %add3A_56 : i32
    %mul3A_58 = arith.constant 60 : i32
    %mul3A_59 = arith.muli %add3A_57, %mul3A_58 : i32
    %dma_wait3A = arith.constant 0 : i32
    %dma_wait3A_60 = arith.constant 0 : i32
    %dma_wait3A_61 = tpu.memref_slice %arg4[%mul3A_59, %dma_wait3A, %dma_wait3A_60] : memref<7813x4x128xi32, #tpu.memory_space<hbm>> -> memref<60x4x128xi32, #tpu.memory_space<hbm>>
    %dma_wait3A_62 = arith.constant 0 : i32
    %dma_wait3A_63 = arith.constant 0 : i32
    %dma_wait3A_64 = tpu.memref_slice %arg4[%mul3A_59, %dma_wait3A_62, %dma_wait3A_63] : memref<7813x4x128xi32, #tpu.memory_space<hbm>> -> memref<60x4x128xi32, #tpu.memory_space<hbm>>
    tpu.wait_dma2 semaphore(%arg13 : memref<!tpu.dma_semaphore, #tpu.memory_space<semaphore_mem>>) src(%arg8 : memref<60x4x128xi32, #tpu.memory_space<vmem>>) dst(%dma_wait3A_64 : memref<60x4x128xi32, #tpu.memory_space<hbm>>)
    return
  }
}

</mosaic_0001>

<sc_bundles>
// kernel: kernel.3.cloned.1.call-start
scs
__scs_entry_jumppad:
0x0: {  	(pc) =	sbr.rel $0x88, $3  }
0x1: {  	(tag) =	ssettag $0x0;
	lr =	simm.s32 $0x1  }
0x2: {  	[smem:$0x3F9F] =	sst lr;
	_ =	strace $0xD0000000  }
0x3: {  	_ = 	snop  }
0x4: {  	_ = 	snop  }
0x5: {  	_ = 	snop  }
0x6: {  	_ = 	snop  }
0x7: {  	_ = 	snop  }
__scs_overlays_trampoline_lowered:
0x8: {  	[smem:$0x3FAE] =	sst s0  }
0x9: {  	[smem:$0x3FAF] =	sst s1  }
0xa: {  	[smem:$0x3FB0] =	sst s2  }
0xb: {  	[smem:$0x3FB1] =	sst s3  }
0xc: {  	[smem:$0x3FB2] =	sst s4  }
0xd: {  	[smem:$0x3FB3] =	sst s5  }
0xe: {  	[smem:$0x3FB4] =	sst s6  }
0xf: {  	[smem:$0x3FB5] =	sst s7  }
0x10: {  	[smem:$0x3FB6] =	sst s8  }
0x11: {  	[smem:$0x3FB7] =	sst s9;
	s0 =	simm.s32 @!p0 $0x0  }
0x12: {  	s1 =	sld [smem:$0x3F9D];
	s0 =	simm.s32 @p0 $0x1  }
0x13: {  	[smem:$0x3FB8] =	sst s0;
	s0 =	simm.s32 @!p1 $0x0  }
0x14: {  	s2 =	sld [smem:$0x3F9C];
	s0 =	simm.s32 @p1 $0x1  }
0x15: {  	[smem:$0x3FB9] =	sst s0;
	s0 =	simm.s32 @!p2 $0x0  }
0x16: {  	s3 =	sld [smem:$0x3FDB];
	s0 =	simm.s32 @p2 $0x1  }
0x17: {  	s4 =	simm.s32 $0x1BF5;
	[smem:$0x3FBB] =	sst s0  }
0x18: {  	s0 =	sld [smem:$0x3F9E];
	_ =	swait.ge [sflag:s4], $0x0  }
0x19: {  	s7 =	sld [smem:$0x3F9F]  }
0x1a: {  	s8 =	sadd.s32 $0xFFFFE003, lr  }
0x1b: {  	s9 =	sadd.s32 $0xFFFFFEF7, lr;
	s5 =	simm.s32 $0xFFFFFFFF;
	p2 =	slt.u32 s8, $0xFFFFF086  }
0x1c: {  	p1 =	slt.u32 s9, $0xF7A;
	s5 =	simm.s32 @!p2 $0x0  }
0x1d: {  	s5 =	simm.s32 @p1 $0x1;
	p0 =	seq.s32 s7, s2  }
0x1e: {  	s7 =	smul.u32 @!p0 $0xF7A, s2;
	p2 =	seq.s32 @!p0 s5, $0x0  }
0x1f: {  	s9 =	smul.u32 $0xF7A, s1;
	s8 =	simm.s32 @!p0 $0x1BF5;
	p2 =	por !p2, p0  }
0x20: {  	[sflag:s8] =	ssyncset.s32 @!p0 $0xFFFFF086;
	s6 =	sadd.s32 @!p0 s3, s7;
	s7 =	simm.s32 @!p0 $0x108  }
0x21: {  	s3 =	sadd.s32 s3, s9;
	s6 =	sadd.s32 @!p0 $0x88, s6;
	s7 =	simm.s32 @p2 $0x1082  }
0x22: {  	[simem:s7], [sflag:s8] =	dma.local @!p0 [hbm:s6], $0xF7A  }
0x23: {  	s9 =	sor.u32 $0xD0000000, s2;
	s6 =	simm.s32 $0x108;
	_ =	swait.ge @!p0 [sflag:s8], $0x0  }
0x24: {  	s3 =	sadd.s32 $0x88, s3;
	s6 =	simm.s32 @!p1 $0x1082;
	[sflag:s4] =	ssyncset.s32 $0xFFFFF086  }
0x25: {  	[simem:s6], [sflag:s4] =	dma.local [hbm:s3], $0xF7A  }
0x26: {  	[smem:$0x3F9F] =	sst s1;
	(tag) =	ssettag s2;
	_ =	strace s9  }
0x27: {  	s1 =	sld [smem:$0x3FAF]  }
0x28: {  	s2 =	sld [smem:$0x3FB0]  }
0x29: {  	s4 =	sld [smem:$0x3FB2]  }
0x2a: {  	p0 =	seq.s32 s5, $0x0;
	s5 =	sld [smem:$0x3FB3]  }
0x2b: {  	s6 =	sld [smem:$0x3FB4]  }
0x2c: {  	s7 =	sld [smem:$0x3FB5]  }
0x2d: {  	s3 =	simm.s32 $0x108;
	s8 =	sld [smem:$0x3FB6]  }
0x2e: {  	s3 =	simm.s32 @!p0 $0x1082;
	s9 =	sld [smem:$0x3FB7]  }
0x2f: {  	lr =	sadd.s32 s0, s3;
	s0 =	sld [smem:$0x3FAE]  }
0x30: {  	s3 =	sld [smem:$0x3FB1]  }
0x31: {  	[smem:$0x3FBA] =	sst s10  }
0x32: {  	s10 =	sld [smem:$0x3FB8];
	_ =	sdelay $0x3  }
0x33: {  	p0 =	seq.s32 s10, $0x1;
	s10 =	sld [smem:$0x3FBA];
	_ =	sdelay $0x3  }
0x34: {  	[smem:$0x3FBA] =	sst s10  }
0x35: {  	s10 =	sld [smem:$0x3FB9];
	_ =	sdelay $0x3  }
0x36: {  	p1 =	seq.s32 s10, $0x1;
	s10 =	sld [smem:$0x3FBA];
	_ =	sdelay $0x3  }
0x37: {  	[smem:$0x3FBA] =	sst s10  }
0x38: {  	s10 =	sld [smem:$0x3FBB]  }
0x39: {  	_ = 	snop;
	(pc) =	sbr.ind lr, $3  }
0x3a: {  	_ = 	snop  }
0x3b: {  	_ = 	snop  }
0x3c: {  	p2 =	seq.s32 s10, $0x1;
	s10 =	sld [smem:$0x3FBA]  }
0x3d: {  	_ =	shalt  }
0x3e: {  	_ =	shalt  }
0x3f: {  	_ =	shalt  }
0x40: {  	_ =	shalt  }
0x41: {  	_ =	shalt  }
0x42: {  	_ =	shalt  }
0x43: {  	_ =	shalt  }
0x44: {  	_ =	shalt  }
0x45: {  	_ =	shalt  }
0x46: {  	_ =	shalt  }
0x47: {  	_ =	shalt  }
0x48: {  	_ =	shalt  }
0x49: {  	_ =	shalt  }
0x4a: {  	_ =	shalt  }
0x4b: {  	_ =	shalt  }
0x4c: {  	_ =	shalt  }
0x4d: {  	_ =	shalt  }
0x4e: {  	_ =	shalt  }
0x4f: {  	_ =	shalt  }
0x50: {  	_ =	shalt  }
0x51: {  	_ =	shalt  }
0x52: {  	_ =	shalt  }
0x53: {  	_ =	shalt  }
0x54: {  	_ =	shalt  }
0x55: {  	_ =	shalt  }
0x56: {  	_ =	shalt  }
0x57: {  	_ =	shalt  }
0x58: {  	_ =	shalt  }
0x59: {  	_ =	shalt  }
0x5a: {  	_ =	shalt  }
0x5b: {  	_ =	shalt  }
0x5c: {  	_ =	shalt  }
0x5d: {  	_ =	shalt  }
0x5e: {  	_ =	shalt  }
0x5f: {  	_ =	shalt  }
0x60: {  	_ =	shalt  }
0x61: {  	_ =	shalt  }
0x62: {  	_ =	shalt  }
0x63: {  	_ =	shalt  }
0x64: {  	_ =	shalt  }
0x65: {  	_ =	shalt  }
0x66: {  	_ =	shalt  }
0x67: {  	_ =	shalt  }
0x68: {  	_ =	shalt  }
0x69: {  	_ =	shalt  }
0x6a: {  	_ =	shalt  }
0x6b: {  	_ =	shalt  }
0x6c: {  	_ =	shalt  }
0x6d: {  	_ =	shalt  }
0x6e: {  	_ =	shalt  }
0x6f: {  	_ =	shalt  }
0x70: {  	_ =	shalt  }
0x71: {  	_ =	shalt  }
0x72: {  	_ =	shalt  }
0x73: {  	_ =	shalt  }
0x74: {  	_ =	shalt  }
0x75: {  	_ =	shalt  }
0x76: {  	_ =	shalt  }
0x77: {  	_ =	shalt  }
0x78: {  	_ =	shalt  }
0x79: {  	_ =	shalt  }
0x7a: {  	_ =	shalt  }
0x7b: {  	_ =	shalt  }
0x7c: {  	_ =	shalt  }
0x7d: {  	_ =	shalt  }
0x7e: {  	_ =	shalt  }
0x7f: {  	_ =	shalt  }
0x80: {  	_ =	shalt  }
0x81: {  	_ =	shalt  }
0x82: {  	_ =	shalt  }
0x83: {  	_ =	shalt  }
0x84: {  	_ =	shalt  }
0x85: {  	_ =	shalt  }
0x86: {  	_ =	shalt  }
0x87: {  	_ =	shalt  }
.Lfunc_end0:
.L_simem_size_0:
called_computation_lowered:
.L_overlay_start_0:
0x88: {  	s2 =	sld [smem:$0x3FD9]  }
0x89: {  	s3 =	sld [smem:$0x3FFE];
	_ =	sdelay $0x1  }
0x8a: {  	s1 =	srdreg.scid  }
0x8b: {  	s0 =	sand.u32 $0x1, s1  }
0x8c: {  	s17 =	sshll.u32 s0, $0xA;
	s2 =	sadd.s32 s3, s2  }
0x8d: {  	s2 =	sadd.s32 s2, s17  }
0x8e: {  	[smem:$0x3FC6] =	sst s2  }
0x8f: {  	_ = 	snop  }
0x90: {  	s2 =	sld [smem:$0x3FC9]  }
0x91: {  	s18 =	sld [smem:$0x3FD0];
	(tm) =	ssettm $0x1  }
0x92: {  	s4 =	sld [smem:$0x3FFB];
	_ =	sdelay $0x3  }
0x93: {  	_ =	strace s4  }
0x94: {  	s4 =	sld [smem:$0x3FFC];
	_ =	sdelay $0x3  }
0x95: {  	_ =	strace s4  }
0x96: {  	s4 =	sld [smem:$0x3FFD];
	_ =	sdelay $0x3  }
0x97: {  	_ =	strace s4  }
0x98: {  	_ =	strace $0x8FFFFFFF  }
0x99: {  	s19 =	sld [smem:$0x3FDB];
	_ =	sdelay $0x1  }
0x9a: {  	s5 =	simm.s32 $_scs_section_size  }
0x9b: {  	s6 =	simm.s32 $_size__tile_overlayer_lowered;
	s7 =	simm.s32 $_tile_overlayer_lowered  }
0x9c: {  	s22 =	simm.s32 $0x1BFF;
	s21 =	sshll.u32 s7, $0x1;
	s4 =	sadd.s32 s5, s19  }
0x9d: {  	s8 =	simm.s32 $0x0;
	s20 =	sshll.u32 s6, $0x1;
	s6 =	sadd.s32 s21, s4  }
0x9e: {  	[timem:s8], [sflag:s22] =	dma.local [hbm:s6], s20  }
0x9f: {  	_ =	swait.ge [sflag:s22], s20  }
0xa0: {  	s5 =	ssub.s32 $0x0, s20;
	[sflag:s22] =	ssyncset.done $0x0  }
0xa1: {  	[sflag:s22] =	ssyncadd.s32 s5;
	_ =	sdelay $0x1  }
0xa2: {  	s23 =	simm.s32 $0x1B8B  }
0xa3: {  	_ =	swait.ge [sflag:s23], $0x1  }
0xa4: {  	[sflag:s23] =	ssyncset.done $0x0  }
0xa5: {  	s25 =	simm.s32 $0x1B8E;
	s24 =	sld [smem:$0x3FFE];
	[sflag:s23] =	ssyncadd.s32 $0xFFFFFFFF  }
0xa6: {  	s26 =	simm.s32 $execute0_lowered;
	[smem:$0x3FD2] =	sst s25  }
0xa7: {  	s6 =	sshll.u32 s26, $0x1;
	_ =	strace $0x80000046;
	[dreg:$0x1] =	wrdreg $0xFFFFFFFF  }
0xa8: {  	s28 =	simm.s32 $_size_execute0_lowered;
	s4 =	sadd.s32 s4, s6;
	[dreg:$0x0] =	wrdreg $0x0  }
0xa9: {  	s6 =	sshll.u32 s28, $0x1;
	[dreg:$0x2] =	wrdreg s4  }
0xaa: {  	[dreg:$0x3] =	wrdreg s6  }
0xab: {  	[dreg:$0x4] =	wrdreg $0xC0  }
0xac: {  	_ =	task [dreg:s8], $0x5FFFF  }
0xad: {  	[dreg:$0x1] =	wrdreg $0xFFFFFFFF  }
0xae: {  	[dreg:$0x0] =	wrdreg $0x60  }
0xaf: {  	[dreg:$0x2] =	wrdreg s2  }
0xb0: {  	[dreg:$0x3] =	wrdreg s18  }
0xb1: {  	[dreg:$0x4] =	wrdreg s24  }
0xb2: {  	[dreg:$0x5] =	wrdreg $0x9  }
0xb3: {  	_ =	task.clear_ibuf [dreg:s8], $0x6FFFF;
	_ =	strace $0x90000046  }
0xb4: {  	s29 =	simm.s32 $0x9;
	_ =	strace $0x80000048  }
0xb5: {  	_ =	swait.ge [sflag:s29], $0x1  }
0xb6: {  	[sflag:s29] =	ssyncadd.s32 $0xFFFFFFFF  }
0xb7: {  	_ =	strace $0x90000048  }
0xb8: {  	_ =	sfence  }
0xb9: {  	s30 =	sld [smem:$0x0];
	_ =	sdelay $0x2  }
0xba: {  	s31 =	sshll.u32 s1, $0xD;
	s1 =	sshrl.u32 s1, $0x2  }
0xbb: {  	s3 =	sand.u32 $0x4000, s31;
	s1 =	sadd.s32 s1, s30  }
0xbc: {  	s0 =	sor.u32 s3, s0;
	s1 =	sshll.u32 s1, $0x11  }
0xbd: {  	s0 =	sor.u32 s1, s0  }
0xbe: {  	s0 =	sadd.s32 $0x8F2B, s0  }
0xbf: {  	[sflag:s0] =	ssyncadd.remote.s32 $0x1  }
0xc0: {  	_ =	sfence.sel $0xFFFF  }
0xc1: {  	[dreg:$0x0] =	wrdreg $0xFFFFFFFF;
	(pc) =	sbr.abs _section_cstart, $3  }
0xc2: {  	[dreg:$0x1] =	wrdreg $0xFFFFFFFF  }
0xc3: {  	_ =	task.clear_ibuf [dreg:s8], $0x2FFFF;
	_ =	strace $0x9FFFFFFF  }
0xc4: {  	(tm) =	ssettm $0x7FFFFFFF  }
0xc5: {  	_ =	shalt  }
tec
execute0_lowered:
.L_overlay_start_1:
0x0: {  	(tag) =	ssettag $0x1  }
0x1: {  	s13 =	rddreg [dreg:$0x0];
	s0 =	srdreg.scid  }
0x2: {  	s1 =	stileid.u32;
	s2 =	rddreg [dreg:$0x2];
	s28 =	simm.s32 $0x0  }
0x3: {  	s0 =	sand.u32 $0x1, s0;
	s3 =	sshll.u32 s1, $0x1;
	s8 =	sadd.s32 $0x400, s2  }
0x4: {  	s19 =	smul.u32 $0x3C00, s1;
	s24 =	sadd.s32 $0x1E77E, s13;
	s2 =	sadd.s32 $0x7A200, s2  }
0x5: {  	p1 =	sne.s32 s1, $0x0;
	s4 =	sor.u32 s0, s3;
	s22 =	smul.u32 $0x1E00, s0  }
0x6: {  	s3 =	simm.s32 $0x0;
	s9 =	ssub.s32 $0x2, s0;
	s5 =	smul.u32 $0x1E00, s4  }
0x7: {  	s0 =	sor.u32 $0x80, s0;
	s6 =	sor.u32 $0x20, s4;
	s15 =	smul.u32 $0xF00, s4  }
0x8: {  	[smem:$0x7FF] =	sst s3;
	s10 =	sshrl.u32 s9, $0x1;
	s0 =	smul.u32 $0xF00, s0  }
0x9: {  	s16 =	sor.u32 $0x40, s4;
	s21 =	sor.u32 $0x60, s4;
	s7 =	smul.u32 $0x1E00, s6  }
0xa: {  	p0 =	sne.s32 s4, $0x0;
	p2 =	sne.s32 s4, $0x2;
	s6 =	smul.u32 $0xF00, s6  }
0xb: {  	p3 =	slt.u32 s4, $0x3;
	_ =	strace $0x80000047;
	s17 =	smul.u32 $0xF00, s16  }
0xc: {  	s9 =	ssub.s32 s9, s10;
	s23 =	smul.u32 $0xF00, s21;
	[dreg:$0x10] =	wrdreg s24  }
0xd: {  	s12 =	sadd.s32 s22, s19;
	[dreg:$0x13] =	wrdreg s2;
	s31 =	sor.u32 $0xF0000, s22  }
0xe: {  	s21 =	simm.s32 $0x1;
	s0 =	sadd.s32 s8, s0;
	[dreg:$0x7] =	wrdreg s31  }
0xf: {  	s22 =	simm.s32 $0x3C20;
	s26 =	sadd.s32 $0x3C000, s12;
	[dreg:$0x12] =	wrdreg s0  }
0x10: {  	s11 =	sadd.s32 $0xFFFFFFF0, s5;
	s29 =	sadd.s32 $0x78000, s12;
	[dreg:$0x4] =	wrdreg s26  }
0x11: {  	s5 =	sshrl.u32 s5, $0x3;
	s30 =	sadd.s32 $0xB4000, s12;
	[dreg:$0x5] =	wrdreg s29  }
0x12: {  	s7 =	sadd.s32 $0xFFFFFFF0, s7;
	s6 =	sadd.s32 s8, s6;
	[dreg:$0x6] =	wrdreg s30  }
0x13: {  	s14 =	sshrl.u32 s11, $0x3;
	s25 =	sadd.s32 s8, s23;
	[dreg:$0xc] =	wrdreg s6  }
0x14: {  	s5 =	sadd.s32 s13, s5;
	s10 =	sadd.s32 s13, s14;
	[dreg:$0x11] =	wrdreg s25  }
0x15: {  	s23 =	simm.s32 $0x2;
	s18 =	sadd.s32 $0xEFFE, s5;
	[dreg:$0x8] =	wrdreg s10  }
0x16: {  	s7 =	sshrl.u32 s7, $0x3;
	s20 =	sadd.s32 $0x167FE, s5;
	[dreg:$0xb] =	wrdreg s18  }
.Ltmp0:
0x17: {  	s5 =	sadd.s32 $0x1DFFE, s5;
	[dreg:$0xd] =	wrdreg s20;
	(pc) =	sbr.rel .LBB2_1-.Ltmp0, $4  }
0x18: {  	s26 =	simm.s32 $0x4;
	s7 =	sadd.s32 s13, s7;
	[dreg:$0xf] =	wrdreg s5  }
0x19: {  	s25 =	simm.s32 $0x3;
	[dreg:$0x9] =	wrdreg s7;
	s7 =	sadd.s32 s8, s15  }
0x1a: {  	s18 =	simm.s32 $0x1E10;
	[dreg:$0xa] =	wrdreg s7;
	s7 =	sadd.s32 s8, s17  }
0x1b: {  	v0 =	vlaneseq.u32;
	v1 =	vimm.s32 $0x0;
	s20 =	simm.s32 $0x5;
	s17 =	smax.u32 s9, $0x1;
	[dreg:$0xe] =	wrdreg s7  }
.LBB2_16:
0x1c: {  	[tilespmem:s24+$0x80] =	vst v10;
	s1 =	sadd.s32 $0x30, s16  }
0x1d: {  	v55 =	vsel vm5, $0x1, v1;
	[tilespmem:s8+$0x80] =	vst v9;
	vm15 =	vne.s32 v5, v7;
	s2 =	sor.u32 $0x100, s1  }
0x1e: {  	vm8 =	vne.s32 v3, v8;
	v57 =	vsel vm15, $0x1, v1;
	[tilespmem:s2+$0x3C20] =	vst v55  }
0x1f: {  	vm9 =	vne.s32 v4, v6;
	v58 =	vsel vm8, $0x1, v1;
	[tilespmem:s19+$0x0] =	vst v57  }
0x20: {  	s4 =	simm.s32 $0x1;
	s0 =	sand.u32 $0x3, s0;
	v60 =	vsel vm9, $0x1, v1;
	[tilespmem:s7+$0x0] =	vst v58  }
0x21: {  	v56 =	vsel vm4, $0x1, v1;
	vm0 =	vmand vm0, vm1;
	s29 =	sadd.s32 $0x10, s16;
	s4 =	simm.s32 @!p5 $0x0;
	s1 =	sor.u32 $0x180, s1;
	[tilespmem:s24+$0x0] =	vst v60  }
0x22: {  	vm2 =	vmand vm2, vm3;
	s0 =	sshll.u32 s0, $0x5;
	v63 =	vsel vm0, $0x1, v1;
	s30 =	sor.u32 $0x100, s29;
	vm15 =	veq.s32 v3, v2;
	s14 =	sshll.u32 s4, $0x6;
	[tilespmem:s1+$0x3C20] =	vst v56  }
0x23: {  	vm10 =	vgt.s32 v4, $0x0;
	vm11 =	vlt.s32 v4, v2;
	s31 =	sor.u32 $0x180, s29;
	s0 =	sadd.s32 s15, s0;
	v3 =	vsel vm15, $0x1, v1;
	s19 =	sadd.s32 s14, s15;
	[tilespmem:s30+$0x3C20] =	vst v63  }
0x24: {  	v59 =	vsel vm2, $0x1, v1;
	vm12 =	vmand vm10, vm11;
	s0 =	sadd.s32 $0x20, s0;
	s2 =	sor.u32 $0x100, s19;
	[tilespmem:s31+$0x3C20] =	vst v3  }
0x25: {  	vm13 =	veq.s32 v5, v2;
	v61 =	vsel vm12, $0x1, v1;
	s24 =	sor.u32 $0x100, s0;
	[tilespmem:s2+$0x3C20] =	vst v59  }
0x26: {  	vm14 =	veq.s32 v4, v2;
	v62 =	vsel vm13, $0x1, v1;
	s1 =	sor.u32 $0x180, s19;
	[tilespmem:s24+$0x3C20] =	vst v61  }
0x27: {  	v2 =	vsel vm14, $0x1, v1;
	s0 =	sor.u32 $0x180, s0;
	[tilespmem:s1+$0x3C20] =	vst v62  }
0x28: {  	[tilespmem:s0+$0x3C20] =	vst v2  }
0x29: {  	s0 =	rddreg [dreg:$0x13]  }
0x2a: {  	[hbm4b:s0+s3] =	stream.linear.scatter [tilespmem:s22], [sflag:$0x3], $0x1A00, $0x38;
	[tilespmem:$0x12C30] =	vst v63  }
0x2b: {  	_ =	swait.ge [sflag:s25], $0x1A00  }
0x2c: {  	[sflag:s25] =	ssyncset.done $0x0  }
0x2d: {  	[sflag:s25] =	ssyncadd.s32 $0xFFFFE600  }
.LBB2_17:
0x2e: {  	s0 =	simm.s32 @!p1 $0x3  }
0x2f: {  	_ =	swait.ge @!p1 [sflag:s0], $0x7800  }
0x30: {  	[sflag:s0] =	ssyncset.done @!p1 $0x0  }
0x31: {  	s28 =	sadd.s32 $0x1, s28;
	[sflag:s0] =	ssyncadd.s32 @!p1 $0xFFFF8800;
	s0 =	simm.s32 @!p3 $0x3  }
0x32: {  	p4 =	sne.s32 s28, s17;
	_ =	swait.ge @!p3 [sflag:s0], $0x7800  }
.Ltmp1:
0x33: {  	[sflag:s0] =	ssyncset.done @!p3 $0x0;
	(pc) =	sbr.rel @!p4 .LBB2_18-.Ltmp1, $4  }
0x34: {  	[sflag:s0] =	ssyncadd.s32 @!p3 $0xFFFF8800  }
0x35: {  	_ =	swait.ge [sflag:s26], $0x7800  }
0x36: {  	[sflag:s26] =	ssyncset.done $0x0  }
0x37: {  	[sflag:s26] =	ssyncadd.s32 $0xFFFF8800  }
.LBB2_1:
0x38: {  	s0 =	simm.s32 @p0 $0x0;
	s1 =	rddreg [dreg:$0x8]  }
0x39: {  	[tilespmem:s0], [sflag:$0x1] =	stream.linear.gather @p0 [hbm4b:s1+s0], $0x1E10, $0x38;
	[tilespmem:$0x12C30] =	vst v63  }
0x3a: {  	s2 =	rddreg [dreg:$0x0];
	s0 =	simm.s32 @!p0 $0x0;
	s1 =	simm.s32 @!p0 $0x10  }
0x3b: {  	[tilespmem:s1], [sflag:$0x1] =	stream.linear.gather @!p0 [hbm4b:s2+s0], $0x1E00, $0x38;
	[tilespmem:$0x12C30] =	vst v63  }
0x3c: {  	s5 =	rddreg [dreg:$0x9]  }
0x3d: {  	[tilespmem:s18], [sflag:$0x2] =	stream.linear.gather [hbm4b:s5+s3], $0x1E10, $0x38;
	[tilespmem:$0x12C30] =	vst v63  }
0x3e: {  	s6 =	rddreg [dreg:$0x1];
	s7 =	simm.s32 $0x12C20  }
0x3f: {  	[tilespmem:s7], [sflag:$0x5] =	stream.linear.gather [hbm4b:s6+s3], $0x10, $0x38;
	[tilespmem:$0x12C30] =	vst v63  }
0x40: {  	_ =	swait.ge [sflag:s20], $0x10  }
0x41: {  	[sflag:s20] =	ssyncset.done $0x0  }
0x42: {  	s0 =	simm.s32 @p0 $0x1;
	[sflag:s20] =	ssyncadd.s32 $0xFFFFFFF0  }
0x43: {  	s8 =	simm.s32 $0x3F;
	v2 =	vld [tilespmem:$0x12C20];
	_ =	swait.ge @p0 [sflag:s0], $0x1E10  }
0x44: {  	v3 =	vadd.s32 s8, v0;
	[sflag:s0] =	ssyncset.done @p0 $0x0  }
0x45: {  	[sflag:s0] =	ssyncadd.s32 @p0 $0xFFFFE1F0;
	s0 =	simm.s32 @!p0 $0x1  }
0x46: {  	_ =	swait.ge @!p0 [sflag:s0], $0x1E00  }
0x47: {  	[sflag:s0] =	ssyncset.done @!p0 $0x0  }
0x48: {  	[sflag:s0] =	ssyncadd.s32 @!p0 $0xFFFFE200  }
0x49: {  	s9 =	simm.s32 $0x0;
	v4 =	vld.idx.msk [tilespmem:v3+s3+$0x0], $0xffff  }
0x4a: {  	p4 =	por $0x0, $0x0;
	s10 =	simm.s32 $0xF;
	v5 =	vld [tilespmem:s9+$0x40]  }
0x4b: {  	s4 =	simm.s32 $0x0;
	s11 =	simm.s32 $0x30;
	s13 =	simm.s32 $0x1F;
	v6 =	vadd.s32 s10, v0;
	v8 =	vld [tilespmem:s9+$0x30]  }
0x4c: {  	s14 =	simm.s32 $0x2F;
	s16 =	simm.s32 $0x4;
	v7 =	vadd.s32 s13, v0;
	s5 =	sadd.s32 $0x0, s12  }
0x4d: {  	s15 =	sand.u32 $0x7E00, s3;
	s19 =	sand.u32 $0x7, s3;
	v9 =	vadd.s32 s14, v0;
	s2 =	simm.s32 $0x7F;
	v3 =	vmov s5  }
0x4e: {  	s29 =	simm.s32 $0x40;
	s24 =	simm.s32 $0x70;
	s31 =	simm.s32 $0x2;
	v10 =	vadd.s32 s2, v0;
	v11 =	vld [tilespmem:s9+$0x10];
	vm0 =	veq.s32 v3, v0  }
0x4f: {  	s30 =	simm.s32 $0x100;
	p5 =	por p4, p4;
	s8 =	sshll.u32 s19, $0x4;
	v3 =	vld [tilespmem:s9+$0x20];
	vm1 =	vne.s32 v5, v4;
	vm2 =	veq.s32 v5, $0x0;
	vm3 =	vlt.s32 v5, v2  }
0x50: {  	s19 =	simm.s32 $0x50;
	s6 =	sand.u32 $0x70, s11;
	s9 =	sadd.s32 $0x3C20, s15;
	v4 =	vld.idx.msk [tilespmem:v6+s3+$0x0], $0xffff;
	vm4 =	vgt.s32 v8, $0x0;
	vm5 =	vlt.s32 v8, v2;
	v6 =	vsel vm1, $0x1, v1  }
0x51: {  	v7 =	vld.idx.msk [tilespmem:v7+s3+$0x0], $0xffff;
	s5 =	sadd.s32 $0x0, s8;
	s8 =	simm.s32 $0x20;
	s6 =	sadd.s32 s6, s9;
	v12 =	vsel vm2, $0x1, v1;
	vm1 =	vgt.s32 v5, $0x0;
	vm2 =	veq.s32 v8, $0x0  }
0x52: {  	s4 =	sand.u32 $0x40, s4;
	v9 =	vld.idx.msk [tilespmem:v9+s3+$0x0], $0xffff;
	s15 =	sand.u32 $0x70, s24;
	s8 =	sand.u32 $0x60, s8;
	vm1 =	vmand vm1, vm3;
	vm3 =	veq.s32 v5, v2;
	[tilespmem:s6+$0x0] =	vst v6;
	v13 =	vsel vm2, $0x1, v1  }
0x53: {  	s0 =	sadd.s32 $0x10, s5;
	s5 =	sadd.s32 $0x30, s5;
	s24 =	sadd.s32 s8, s9;
	[tilespmem:s6+$0x80] =	vst v12;
	v5 =	vsel vm1, $0x1, v1;
	v6 =	vsel vm3, $0x1, v1;
	vm1 =	veq.s32 v11, $0x0  }
0x54: {  	p4 =	por !p4, !p4;
	s13 =	sand.u32 $0x3, s3;
	s10 =	sor.u32 $0x100, s5;
	vm3 =	vgt.s32 v11, $0x0;
	[tilespmem:s24+$0x80] =	vst v13;
	v63 =	vsel vm1, $0x1, v1;
	vm1 =	vmand vm4, vm5  }
0x55: {  	s14 =	sshll.u32 s13, $0x5;
	s7 =	simm.s32 $0x10;
	s5 =	sor.u32 $0x180, s5;
	[tilespmem:s10+$0x3C20] =	vst v5;
	vm4 =	vlt.s32 v11, v2;
	vm5 =	veq.s32 v3, $0x0;
	vm2 =	vne.s32 v11, v4  }
0x56: {  	s11 =	sand.u32 $0x50, s7;
	s8 =	sor.u32 s4, s9;
	s4 =	simm.s32 $0x1;
	[tilespmem:s5+$0x3C20] =	vst v6;
	v5 =	vsel vm1, $0x1, v1;
	vm1 =	vmor vm0, vm2;
	vm2 =	vne.s32 v3, v7  }
0x57: {  	s1 =	sadd.s32 $0x40, s12;
	s4 =	simm.s32 @!p5 $0x0;
	s10 =	sor.u32 s11, s9;
	[tilespmem:s8+$0x80] =	vst v63;
	vm0 =	vmand vm3, vm4;
	v4 =	vsel vm2, $0x1, v1;
	vm2 =	vne.s32 v8, v9  }
0x58: {  	s7 =	sadd.s32 $0x0, s14;
	s6 =	sor.u32 $0x100, s0;
	s11 =	sshll.u32 s4, $0x6;
	vm3 =	vgt.s32 v3, $0x0;
	vm4 =	vlt.s32 v3, v2;
	[tilespmem:s10+$0x0] =	vst v4;
	v7 =	vsel vm2, $0x1, v1  }
0x59: {  	s9 =	simm.s32 $0x0;
	s4 =	simm.s32 $0x7F;
	s5 =	simm.s32 $0x4;
	v6 =	vsel vm1, $0x1, v1;
	vm1 =	veq.s32 v11, v2;
	vm2 =	veq.s32 v8, v2;
	v4 =	vld.idx.msk [tilespmem:v10+s3+$0x0], $0xffff;
	[tilespmem:s24+$0x0] =	vst v7  }
.LBB2_2:
0x5a: {  	s13 =	sshra.s32 s30, $0x2  }
0x5b: {  	s14 =	sadd.s32 $0xFFFFFFD0, s2;
	v7 =	vmov s1;
	s1 =	sadd.s32 $0x20, s7;
	s7 =	smov.u32 s19  }
0x5c: {  	[tilespmem:s8+$0x0] =	vst v6;
	v6 =	vsel vm5, $0x1, v1;
	vm5 =	veq.s32 v3, v2;
	s24 =	smov.u32 s31;
	p5 =	por p4, p4;
	s8 =	sadd.s32 $0xFFFFFFE0, s2  }
0x5d: {  	vm3 =	vmand vm3, vm4;
	v3 =	vsel vm2, $0x1, v1;
	s16 =	sadd.s32 $0x4, s16;
	v8 =	vadd.s32 s14, v0;
	s14 =	sadd.s32 $0xFFFFFFF0, s2;
	v9 =	vld [tilespmem:s13+$0x40];
	[tilespmem:s10+$0x80] =	vst v6;
	s10 =	sor.u32 $0x100, s1  }
0x5e: {  	v12 =	vsel vm0, $0x1, v1;
	s0 =	sor.u32 $0x180, s0;
	v6 =	vadd.s32 s8, v0;
	s8 =	sadd.s32 s11, s9;
	s1 =	sor.u32 $0x180, s1;
	v10 =	vld [tilespmem:s13+$0x30];
	v11 =	vadd.s32 s14, v0;
	[tilespmem:s10+$0x3C20] =	vst v5  }
0x5f: {  	s31 =	sadd.s32 $0x2, s31;
	s9 =	sand.u32 $0x7E00, s30;
	v13 =	vsel vm3, $0x1, v1;
	v5 =	vsel vm1, $0x1, v1;
	s10 =	sor.u32 $0x100, s8;
	[tilespmem:s1+$0x3C20] =	vst v3  }
0x60: {  	s11 =	sand.u32 $0x7, s5;
	s2 =	sadd.s32 $0x40, s2;
	s1 =	sor.u32 $0x180, s8;
	v3 =	vld [tilespmem:s13+$0x20];
	[tilespmem:s10+$0x3C20] =	vst v12  }
0x61: {  	vm0 =	veq.s32 v7, v0;
	s14 =	sadd.s32 $0xFFFFFFF1, s2;
	s8 =	sadd.s32 $0xFFFFFFC1, s2;
	v12 =	vadd.s32 s2, v0;
	s10 =	sadd.s32 $0x3C20, s9;
	v14 =	vld [tilespmem:s13+$0x10];
	[tilespmem:s1+$0x3C20] =	vst v5;
	v5 =	vsel vm5, $0x1, v1  }
0x62: {  	s11 =	sshll.u32 s11, $0x4;
	s9 =	sand.u32 $0x70, s14;
	s1 =	sadd.s32 s12, s8;
	v7 =	vld.idx.msk [tilespmem:v8+s3+$0x0], $0xffff;
	vm1 =	vne.s32 v9, v4;
	vm2 =	veq.s32 v9, $0x0;
	vm3 =	vlt.s32 v9, v2;
	[tilespmem:s6+$0x3C20] =	vst v13  }
0x63: {  	s19 =	sadd.s32 $0xFFFFFFD1, s2;
	s6 =	sadd.s32 s11, s30;
	s11 =	sadd.s32 s15, s10;
	v6 =	vld.idx.msk [tilespmem:v6+s3+$0x0], $0xffff;
	v4 =	vsel vm1, $0x1, v1;
	v8 =	vsel vm2, $0x1, v1;
	vm1 =	vgt.s32 v9, $0x0;
	[tilespmem:s0+$0x3C20] =	vst v5  }
0x64: {  	p6 =	slt.u32 s16, $0x1DC;
	s0 =	sadd.s32 $0x10, s6;
	vm2 =	veq.s32 v10, $0x0;
	s6 =	sadd.s32 $0x30, s6;
	v11 =	vld.idx.msk [tilespmem:v11+s3+$0x0], $0xffff;
	vm1 =	vmand vm1, vm3;
	vm3 =	veq.s32 v9, v2;
	[tilespmem:s11+$0x0] =	vst v4  }
0x65: {  	s13 =	sadd.s32 $0xFFFFFFE1, s4;
	s4 =	smov.u32 s2;
	vm4 =	vgt.s32 v10, $0x0;
	v5 =	vsel vm1, $0x1, v1;
	v9 =	vsel vm3, $0x1, v1;
	[tilespmem:s11+$0x80] =	vst v8;
	s11 =	sor.u32 $0x100, s6  }
0x66: {  	s13 =	sand.u32 $0x60, s13;
	s15 =	smov.u32 s9;
	vm5 =	vlt.s32 v10, v2;
	s6 =	sor.u32 $0x180, s6;
	v4 =	vld.idx.msk [tilespmem:v12+s3+$0x0], $0xffff;
	vm1 =	veq.s32 v14, $0x0;
	vm3 =	vgt.s32 v14, $0x0;
	[tilespmem:s11+$0x3C20] =	vst v5  }
0x67: {  	s9 =	sand.u32 $0x40, s29;
	s29 =	smov.u32 s8;
	s13 =	sadd.s32 s13, s10;
	v12 =	vsel vm2, $0x1, v1;
	v8 =	vsel vm1, $0x1, v1;
	vm1 =	vmand vm4, vm5;
	[tilespmem:s6+$0x3C20] =	vst v9  }
.Ltmp2:
0x68: {  	s8 =	sor.u32 s9, s10;
	s9 =	smov.u32 s30;
	vm2 =	vne.s32 v14, v7;
	vm4 =	vlt.s32 v14, v2;
	v5 =	vsel vm1, $0x1, v1;
	[tilespmem:s13+$0x80] =	vst v12;
	(pc) =	sbr.rel @p6 .LBB2_2-.Ltmp2, $4  }
0x69: {  	p4 =	por !p4, !p4;
	s11 =	simm.s32 $0x1;
	s6 =	sand.u32 $0x50, s7;
	vm1 =	vmor vm0, vm2;
	vm0 =	vmand vm3, vm4;
	vm2 =	vne.s32 v3, v6;
	[tilespmem:s8+$0x80] =	vst v8  }
0x6a: {  	s7 =	sand.u32 $0x3, s24;
	s10 =	sor.u32 s6, s10;
	s6 =	sor.u32 $0x100, s0;
	v6 =	vsel vm1, $0x1, v1;
	v7 =	vsel vm2, $0x1, v1;
	vm2 =	vne.s32 v10, v11  }
0x6b: {  	s5 =	sadd.s32 $0x4, s5;
	s11 =	simm.s32 @!p5 $0x0;
	s7 =	sshll.u32 s7, $0x5;
	vm1 =	veq.s32 v14, v2;
	[tilespmem:s10+$0x0] =	vst v7;
	v7 =	vsel vm2, $0x1, v1;
	vm2 =	veq.s32 v10, v2  }
0x6c: {  	s30 =	sadd.s32 $0x100, s30;
	vm5 =	veq.s32 v3, $0x0;
	s11 =	sshll.u32 s11, $0x6;
	vm3 =	vgt.s32 v3, $0x0;
	vm4 =	vlt.s32 v3, v2;
	s7 =	sadd.s32 s9, s7;
	[tilespmem:s13+$0x0] =	vst v7  }
0x6d: {  	s13 =	sshra.s32 s30, $0x2;
	s14 =	sadd.s32 $0xFFFFFFD0, s2;
	[tilespmem:s8+$0x0] =	vst v6;
	v6 =	vsel vm5, $0x1, v1;
	s7 =	sadd.s32 $0x20, s7  }
0x6e: {  	s9 =	sadd.s32 s11, s9;
	v7 =	vadd.s32 s14, v0;
	s14 =	sadd.s32 $0xFFFFFFE0, s2;
	v8 =	vld [tilespmem:s13+$0x40];
	[tilespmem:s10+$0x80] =	vst v6;
	s16 =	sor.u32 $0x100, s7  }
0x6f: {  	v11 =	vsel vm0, $0x1, v1;
	s11 =	sor.u32 $0x100, s9;
	v9 =	vadd.s32 s14, v0;
	[tilespmem:s16+$0x3C20] =	vst v5  }
0x70: {  	s24 =	sadd.s32 $0xFFFFFFF0, s2;
	v6 =	vsel vm2, $0x1, v1;
	s7 =	sor.u32 $0x180, s7;
	v12 =	vld [tilespmem:s13+$0x20];
	[tilespmem:s11+$0x3C20] =	vst v11  }
0x71: {  	vm0 =	vmand vm3, vm4;
	v10 =	vadd.s32 s24, v0;
	v5 =	vld [tilespmem:s13+$0x30];
	s14 =	sor.u32 $0x180, s9;
	[tilespmem:s7+$0x3C20] =	vst v6;
	v6 =	vsel vm1, $0x1, v1  }
0x72: {  	s5 =	sand.u32 $0x7, s5;
	s16 =	sand.u32 $0x7E00, s30;
	v11 =	vld [tilespmem:s13+$0x10];
	vm1 =	veq.s32 v3, v2;
	v3 =	vsel vm0, $0x1, v1;
	[tilespmem:s14+$0x3C20] =	vst v6  }
0x73: {  	s24 =	sor.u32 $0x180, s0;
	s5 =	sshll.u32 s5, $0x4;
	s7 =	sadd.s32 $0x3C20, s16;
	v6 =	vsel vm1, $0x1, v1;
	[tilespmem:s6+$0x3C20] =	vst v3;
	v7 =	vld.idx.msk [tilespmem:v7+s3+$0x0], $0xffff;
	vm0 =	vne.s32 v8, v4;
	vm1 =	veq.s32 v8, $0x0  }
0x74: {  	s0 =	sadd.s32 s5, s30;
	s8 =	sadd.s32 s15, s7;
	[tilespmem:s24+$0x3C20] =	vst v6;
	vm2 =	vlt.s32 v8, v2;
	v3 =	vld.idx.msk [tilespmem:v9+s3+$0x0], $0xffff;
	v4 =	vsel vm0, $0x1, v1;
	vm0 =	vgt.s32 v8, $0x0  }
0x75: {  	s9 =	sadd.s32 $0x30, s0;
	v6 =	vsel vm1, $0x1, v1;
	vm0 =	vmand vm0, vm2;
	[tilespmem:s8+$0x0] =	vst v4  }
0x76: {  	s4 =	sadd.s32 $0xFFFFFFE1, s4;
	s10 =	sor.u32 $0x100, s9;
	v9 =	vld.idx.msk [tilespmem:v10+s3+$0x0], $0xffff;
	vm1 =	veq.s32 v8, v2;
	[tilespmem:s8+$0x80] =	vst v6;
	v4 =	vsel vm0, $0x1, v1  }
0x77: {  	s4 =	sand.u32 $0x60, s4;
	s2 =	sor.u32 $0x180, s9;
	v6 =	vsel vm1, $0x1, v1;
	vm0 =	veq.s32 v5, $0x0;
	[tilespmem:s10+$0x3C20] =	vst v4;
	v4 =	vmov s1  }
0x78: {  	s11 =	sand.u32 $0x40, s29;
	s4 =	sadd.s32 s4, s7;
	vm1 =	veq.s32 v11, $0x0;
	v8 =	vsel vm0, $0x1, v1;
	[tilespmem:s2+$0x3C20] =	vst v6;
	vm0 =	veq.s32 v4, v0  }
0x79: {  	s13 =	sand.u32 $0x50, s19;
	s1 =	sor.u32 s11, s7;
	v4 =	vsel vm1, $0x1, v1;
	[tilespmem:s4+$0x80] =	vst v8;
	vm2 =	vne.s32 v11, v7;
	vm1 =	vne.s32 v12, v3  }
0x7a: {  	s14 =	sand.u32 $0x3, s31;
	s2 =	sor.u32 s13, s7;
	[tilespmem:s1+$0x80] =	vst v4;
	vm0 =	vmor vm0, vm2;
	v3 =	vsel vm1, $0x1, v1  }
0x7b: {  	s5 =	sshll.u32 s14, $0x5;
	vm3 =	vgt.s32 v5, $0x0;
	vm1 =	vne.s32 v5, v9;
	v4 =	vsel vm0, $0x1, v1;
	[tilespmem:s2+$0x0] =	vst v3  }
0x7c: {  	p4 =	por p4, p4;
	s6 =	simm.s32 $0x1;
	s5 =	sadd.s32 s30, s5;
	vm0 =	veq.s32 v12, $0x0;
	v3 =	vsel vm1, $0x1, v1;
	vm1 =	vlt.s32 v5, v2;
	[tilespmem:s1+$0x0] =	vst v4  }
0x7d: {  	s6 =	simm.s32 @!p4 $0x0;
	s15 =	sadd.s32 $0x20, s5;
	vm2 =	vgt.s32 v11, $0x0;
	[tilespmem:s4+$0x0] =	vst v3;
	vm1 =	vmand vm3, vm1;
	v3 =	vsel vm0, $0x1, v1  }
0x7e: {  	s16 =	sshll.u32 s6, $0x6;
	s19 =	sor.u32 $0x100, s15;
	vm0 =	vlt.s32 v11, v2;
	v4 =	vsel vm1, $0x1, v1;
	vm1 =	veq.s32 v5, v2;
	[tilespmem:s2+$0x80] =	vst v3  }
0x7f: {  	s1 =	sor.u32 $0x180, s15;
	s4 =	sadd.s32 s16, s30;
	vm3 =	vlt.s32 v12, v2;
	vm0 =	vmand vm2, vm0;
	v3 =	vsel vm1, $0x1, v1;
	[tilespmem:s19+$0x3C20] =	vst v4  }
0x80: {  	vm2 =	veq.s32 v11, v2;
	s24 =	sor.u32 $0x100, s4;
	vm1 =	vgt.s32 v12, $0x0;
	v4 =	vsel vm0, $0x1, v1;
	[tilespmem:s1+$0x3C20] =	vst v3  }
0x81: {  	s0 =	sadd.s32 $0x10, s0;
	s2 =	sor.u32 $0x180, s4;
	vm0 =	vmand vm1, vm3;
	v3 =	vsel vm2, $0x1, v1;
	[tilespmem:s24+$0x3C20] =	vst v4  }
0x82: {  	s4 =	sor.u32 $0x100, s0;
	vm1 =	veq.s32 v12, v2;
	v4 =	vsel vm0, $0x1, v1;
	[tilespmem:s2+$0x3C20] =	vst v3  }
0x83: {  	s0 =	sor.u32 $0x180, s0;
	v3 =	vsel vm1, $0x1, v1;
	[tilespmem:s4+$0x3C20] =	vst v4  }
0x84: {  	[tilespmem:s0+$0x3C20] =	vst v3  }
0x85: {  	s1 =	simm.s32 $0x0;
	s0 =	rddreg [dreg:$0xa]  }
0x86: {  	[hbm4b:s0+s1] =	stream.linear.scatter [tilespmem:s22], [sflag:$0x3], $0x7800, $0x38;
	[tilespmem:$0x12C30] =	vst v63  }
0x87: {  	s6 =	simm.s32 $0xF;
	s5 =	rddreg [dreg:$0xb]  }
0x88: {  	[tilespmem:s1], [sflag:$0x1] =	stream.linear.gather [hbm4b:s5+s1], $0x1E10, $0x38;
	[tilespmem:$0x12C30] =	vst v63  }
0x89: {  	v3 =	vadd.s32 s6, v0;
	_ =	swait.ge [sflag:s23], $0x1E10  }
0x8a: {  	[sflag:s23] =	ssyncset.done $0x0  }
0x8b: {  	s7 =	simm.s32 $0x0;
	[sflag:s23] =	ssyncadd.s32 $0xFFFFE1F0  }
0x8c: {  	s9 =	simm.s32 $0x1F;
	v4 =	vld [tilespmem:s7+$0x1E40]  }
0x8d: {  	v7 =	vadd.s32 s9, v0;
	v10 =	vld [tilespmem:s7+$0x1E50]  }
0x8e: {  	s8 =	simm.s32 $0x3F;
	v8 =	vld.idx.msk [tilespmem:v3+s18+$0x0], $0xffff  }
0x8f: {  	v6 =	vadd.s32 s8, v0;
	v5 =	vld [tilespmem:s7+$0x1E20]  }
0x90: {  	s10 =	rddreg [dreg:$0x4];
	v3 =	vld [tilespmem:s7+$0x1E30]  }
0x91: {  	s11 =	simm.s32 $0x2F;
	s2 =	sadd.s32 $0x0, s10  }
0x92: {  	v11 =	vadd.s32 s11, v0;
	v13 =	vld.idx.msk [tilespmem:v7+s18+$0x0], $0xffff;
	v7 =	vmov s2  }
0x93: {  	s29 =	simm.s32 $0x2;
	s31 =	simm.s32 $0x40;
	vm5 =	veq.s32 v7, v0;
	vm0 =	vgt.s32 v4, $0x0;
	vm1 =	vlt.s32 v4, v2  }
0x94: {  	p4 =	por $0x0, $0x0;
	s14 =	simm.s32 $0x30;
	s15 =	simm.s32 $0x20;
	v63 =	vld.idx.msk [tilespmem:v6+s18+$0x0], $0xffff;
	vm3 =	veq.s32 v4, $0x0;
	vm2 =	veq.s32 v10, v2;
	vm4 =	vgt.s32 v10, $0x0  }
0x95: {  	s30 =	simm.s32 $0x100;
	s16 =	sand.u32 $0x40, s1;
	s13 =	sand.u32 $0x7E00, s1;
	vm6 =	vlt.s32 v10, v2;
	vm8 =	veq.s32 v5, $0x0;
	vm7 =	veq.s32 v3, $0x0  }
0x96: {  	s19 =	sand.u32 $0x7, s1;
	s4 =	simm.s32 $0x4;
	s24 =	sadd.s32 $0xB420, s13;
	vm9 =	vlt.s32 v5, v2;
	vm0 =	vmand vm0, vm1;
	v6 =	vsel vm3, $0x1, v1  }
0x97: {  	s6 =	sshll.u32 s19, $0x4;
	s19 =	simm.s32 $0x0;
	s0 =	simm.s32 $0x1;
	vm1 =	veq.s32 v10, $0x0;
	vm3 =	vne.s32 v5, v8;
	v8 =	vsel vm8, $0x1, v1  }
0x98: {  	s0 =	simm.s32 @!p4 $0x0;
	p4 =	por !p4, !p4;
	s7 =	sand.u32 $0x70, s14;
	vm8 =	vmand vm4, vm6;
	v9 =	vsel vm1, $0x1, v1;
	vm1 =	vgt.s32 v5, $0x0  }
0x99: {  	s5 =	sand.u32 $0x3, s1;
	s2 =	simm.s32 $0x4;
	v7 =	vld.idx.msk [tilespmem:v11+s18+$0x0], $0xffff;
	s8 =	sadd.s32 s7, s24;
	vm4 =	vmand vm1, vm9;
	vm1 =	vne.s32 v3, v13;
	vm9 =	vne.s32 v10, v63  }
.LBB2_4:
0x9a: {  	s4 =	sadd.s32 $0x4, s4;
	s7 =	sadd.s32 $0xF, s31;
	s9 =	sadd.s32 s6, s1  }
0x9b: {  	s6 =	smov.u32 s2;
	s13 =	sadd.s32 $0x1F, s31;
	s10 =	sadd.s32 $0x2F, s31  }
0x9c: {  	vm6 =	veq.s32 v5, v2;
	[tilespmem:s8+$0x80] =	vst v9;
	v11 =	vsel vm9, $0x1, v1;
	s14 =	sadd.s32 $0x3F, s31;
	s0 =	sshll.u32 s0, $0x6;
	s5 =	sshll.u32 s5, $0x5  }
0x9d: {  	vm10 =	vgt.s32 v3, $0x0;
	v9 =	vadd.s32 s7, v0;
	s11 =	sadd.s32 $0x30, s9;
	v13 =	vadd.s32 s10, v0;
	s7 =	sadd.s32 $0x10, s9;
	[tilespmem:s8+$0x0] =	vst v11;
	s10 =	sor.u32 s16, s24  }
0x9e: {  	v5 =	vsel vm8, $0x1, v1;
	v10 =	vsel vm0, $0x1, v1;
	v12 =	vadd.s32 s13, v0;
	s9 =	sshra.s32 s30, $0x2;
	s16 =	sadd.s32 $0x10, s19;
	s13 =	sor.u32 $0x100, s11;
	[tilespmem:s10+$0x80] =	vst v8  }
0x9f: {  	vm0 =	vlt.s32 v3, v2;
	v14 =	vsel vm2, $0x1, v1;
	s2 =	sadd.s32 $0x4, s2;
	v11 =	vadd.s32 s14, v0;
	s14 =	sor.u32 $0x180, s11;
	v15 =	vld [tilespmem:s9+$0x1E40];
	s19 =	sand.u32 $0x50, s16;
	[tilespmem:s13+$0xB420] =	vst v5  }
0xa0: {  	p5 =	slt.u32 s4, $0x1DC;
	vm8 =	vmand vm10, vm0;
	vm0 =	veq.s32 v3, v2;
	v3 =	vld [tilespmem:s9+$0x1E30];
	v5 =	vsel vm7, $0x1, v1;
	s13 =	sand.u32 $0x60, s15;
	s8 =	sor.u32 s19, s24;
	[tilespmem:s14+$0xB420] =	vst v14  }
0xa1: {  	vm2 =	veq.s32 v4, v2;
	s6 =	sand.u32 $0x7, s6;
	s16 =	sadd.s32 s0, s1;
	v16 =	vsel vm0, $0x1, v1;
	vm0 =	vne.s32 v4, v7;
	s11 =	sadd.s32 s13, s24;
	[tilespmem:s8+$0x80] =	vst v5;
	v5 =	vld [tilespmem:s9+$0x1E20]  }
0xa2: {  	vm3 =	vmor vm5, vm3;
	v18 =	vsel vm1, $0x1, v1;
	s6 =	sshll.u32 s6, $0x4;
	s15 =	sadd.s32 s1, s5;
	s14 =	simm.s32 $0x1;
	v14 =	vld [tilespmem:s9+$0x1E50];
	[tilespmem:s11+$0x80] =	vst v6;
	v6 =	vsel vm0, $0x1, v1  }
0xa3: {  	v17 =	vsel vm2, $0x1, v1;
	v7 =	vsel vm4, $0x1, v1;
	s19 =	sor.u32 $0x100, s16;
	s13 =	sand.u32 $0x3, s29;
	s14 =	simm.s32 @!p4 $0x0;
	v8 =	vld.idx.msk [tilespmem:v9+s18+$0x0], $0xffff;
	v9 =	vsel vm3, $0x1, v1;
	[tilespmem:s11+$0x0] =	vst v6  }
0xa4: {  	v63 =	vsel vm8, $0x1, v1;
	s24 =	sadd.s32 $0x20, s15;
	s0 =	smov.u32 s14;
	s14 =	rddreg [dreg:$0x4];
	v11 =	vld.idx.msk [tilespmem:v11+s18+$0x0], $0xffff;
	[tilespmem:s10+$0x0] =	vst v9;
	vm1 =	veq.s32 v15, $0x0;
	vm0 =	vgt.s32 v15, $0x0  }
0xa5: {  	s5 =	smov.u32 s13;
	s13 =	sor.u32 $0x100, s24;
	v12 =	vld.idx.msk [tilespmem:v12+s18+$0x0], $0xffff;
	vm2 =	vlt.s32 v15, v2;
	s9 =	sadd.s32 s31, s14;
	v9 =	vsel vm6, $0x1, v1;
	vm7 =	veq.s32 v3, $0x0;
	[tilespmem:s19+$0xB420] =	vst v7  }
0xa6: {  	s1 =	smov.u32 s30;
	s15 =	sadd.s32 $0x20, s31;
	s29 =	sadd.s32 $0x2, s29;
	vm0 =	vmand vm0, vm2;
	v7 =	vld.idx.msk [tilespmem:v13+s18+$0x0], $0xffff;
	v6 =	vsel vm1, $0x1, v1;
	[tilespmem:s13+$0xB420] =	vst v10;
	v10 =	vmov s9  }
.Ltmp3:
0xa7: {  	p4 =	por !p4, !p4;
	[tilespmem:s8+$0x0] =	vst v18;
	s10 =	sor.u32 $0x100, s7;
	vm8 =	veq.s32 v5, $0x0;
	vm5 =	veq.s32 v10, v0;
	vm9 =	vlt.s32 v5, v2;
	(pc) =	sbr.rel @p5 .LBB2_4-.Ltmp3, $4  }
0xa8: {  	s24 =	sor.u32 $0x180, s24;
	s14 =	sor.u32 $0x180, s16;
	s19 =	smov.u32 s31;
	[tilespmem:s10+$0xB420] =	vst v63;
	vm2 =	veq.s32 v14, v2;
	vm1 =	veq.s32 v14, $0x0;
	vm4 =	vgt.s32 v14, $0x0  }
0xa9: {  	s11 =	sand.u32 $0x7E00, s30;
	s30 =	sadd.s32 $0x100, s30;
	[tilespmem:s14+$0xB420] =	vst v9;
	s13 =	sadd.s32 $0x30, s19;
	vm6 =	vlt.s32 v14, v2;
	vm3 =	vne.s32 v5, v8;
	v9 =	vsel vm1, $0x1, v1  }
0xaa: {  	s7 =	sor.u32 $0x180, s7;
	[tilespmem:s24+$0xB420] =	vst v17;
	s24 =	sadd.s32 $0xB420, s11;
	s14 =	sand.u32 $0x70, s13;
	vm1 =	vgt.s32 v5, $0x0;
	v8 =	vsel vm8, $0x1, v1;
	vm8 =	vmand vm4, vm6  }
0xab: {  	v4 =	vmovc v15;
	s16 =	sand.u32 $0x40, s31;
	s31 =	sadd.s32 $0x40, s31;
	[tilespmem:s7+$0xB420] =	vst v16;
	s8 =	sadd.s32 s14, s24;
	vm4 =	vmand vm1, vm9;
	vm1 =	vne.s32 v3, v12;
	vm9 =	vne.s32 v14, v11  }
0xac: {  	[tilespmem:s8+$0x80] =	vst v9;
	v9 =	vsel vm9, $0x1, v1  }
0xad: {  	s4 =	sadd.s32 s6, s1;
	s14 =	sor.u32 s16, s24;
	s9 =	sand.u32 $0x60, s15;
	[tilespmem:s8+$0x0] =	vst v9  }
0xae: {  	s6 =	sadd.s32 $0x30, s4;
	[tilespmem:s14+$0x80] =	vst v8;
	s9 =	sadd.s32 s9, s24  }
0xaf: {  	v10 =	vsel vm8, $0x1, v1;
	v9 =	vsel vm2, $0x1, v1;
	vm2 =	vmor vm5, vm3;
	s7 =	sor.u32 $0x100, s6;
	[tilespmem:s9+$0x80] =	vst v6  }
0xb0: {  	s16 =	sadd.s32 $0x10, s19;
	s19 =	sadd.s32 $0x3F, s31;
	s0 =	sshll.u32 s0, $0x6;
	v6 =	vsel vm2, $0x1, v1;
	[tilespmem:s7+$0xB420] =	vst v10  }
0xb1: {  	v8 =	vadd.s32 s19, v0;
	s0 =	sadd.s32 s0, s1;
	s6 =	sor.u32 $0x180, s6;
	[tilespmem:s14+$0x0] =	vst v6  }
0xb2: {  	s5 =	sshll.u32 s5, $0x5;
	vm2 =	vne.s32 v4, v7;
	v7 =	vsel vm4, $0x1, v1;
	s11 =	sor.u32 $0x100, s0;
	[tilespmem:s6+$0xB420] =	vst v9  }
0xb3: {  	s13 =	sadd.s32 $0xF, s31;
	s8 =	sand.u32 $0x50, s16;
	s10 =	sadd.s32 s1, s5;
	v6 =	vsel vm2, $0x1, v1;
	[tilespmem:s11+$0xB420] =	vst v7  }
0xb4: {  	s8 =	sor.u32 s8, s24;
	s1 =	sadd.s32 $0x20, s10;
	s14 =	sshra.s32 s30, $0x2;
	v9 =	vsel vm7, $0x1, v1;
	[tilespmem:s9+$0x0] =	vst v6  }
0xb5: {  	vm2 =	veq.s32 v5, v2;
	v5 =	vadd.s32 s13, v0;
	s15 =	sor.u32 $0x100, s1;
	v7 =	vsel vm0, $0x1, v1;
	[tilespmem:s8+$0x80] =	vst v9;
	v9 =	vld [tilespmem:s14+$0x1E50]  }
0xb6: {  	s0 =	sor.u32 $0x180, s0;
	vm0 =	veq.s32 v4, v2;
	v6 =	vsel vm2, $0x1, v1;
	[tilespmem:s15+$0xB420] =	vst v7;
	v4 =	vld.idx.msk [tilespmem:v8+s18+$0x0], $0xffff  }
0xb7: {  	vm3 =	vlt.s32 v3, v2;
	s4 =	sadd.s32 $0x10, s4;
	s19 =	sadd.s32 $0x2F, s31;
	s16 =	sor.u32 $0x180, s1;
	vm2 =	vgt.s32 v3, $0x0;
	v7 =	vsel vm0, $0x1, v1;
	[tilespmem:s0+$0xB420] =	vst v6  }
0xb8: {  	s2 =	sand.u32 $0x7, s2;
	s24 =	sor.u32 $0x100, s4;
	vm0 =	vmand vm2, vm3;
	v6 =	vld [tilespmem:s14+$0x1E40];
	v8 =	vsel vm1, $0x1, v1;
	[tilespmem:s16+$0xB420] =	vst v7;
	v7 =	vadd.s32 s19, v0  }
0xb9: {  	s10 =	sadd.s32 $0x30, s31;
	s4 =	sor.u32 $0x180, s4;
	s9 =	sand.u32 $0x7E00, s30;
	vm1 =	veq.s32 v3, v2;
	v3 =	vld [tilespmem:s14+$0x1E20];
	v10 =	vsel vm0, $0x1, v1;
	[tilespmem:s8+$0x0] =	vst v8  }
0xba: {  	s13 =	sshll.u32 s2, $0x4;
	s11 =	sand.u32 $0x70, s10;
	s6 =	sadd.s32 $0xB420, s9;
	v8 =	vsel vm1, $0x1, v1;
	v5 =	vld.idx.msk [tilespmem:v5+s18+$0x0], $0xffff;
	[tilespmem:s24+$0xB420] =	vst v10;
	vm0 =	veq.s32 v9, $0x0;
	vm1 =	vgt.s32 v9, $0x0  }
0xbb: {  	s5 =	sadd.s32 $0x1F, s31;
	s0 =	sadd.s32 s13, s30;
	s15 =	sadd.s32 s11, s6;
	v10 =	vld [tilespmem:s14+$0x1E30];
	[tilespmem:s4+$0xB420] =	vst v8;
	vm2 =	vlt.s32 v9, v2;
	v11 =	vsel vm0, $0x1, v1;
	vm0 =	vne.s32 v9, v4  }
0xbc: {  	s1 =	sadd.s32 $0x30, s0;
	s16 =	sadd.s32 $0x20, s31;
	s14 =	rddreg [dreg:$0x4];
	v4 =	vadd.s32 s5, v0;
	vm1 =	vmand vm1, vm2;
	[tilespmem:s15+$0x80] =	vst v11;
	v8 =	vsel vm0, $0x1, v1  }
0xbd: {  	s19 =	sor.u32 $0x100, s1;
	vm2 =	veq.s32 v9, v2;
	v7 =	vld.idx.msk [tilespmem:v7+s18+$0x0], $0xffff;
	s5 =	sand.u32 $0x60, s16;
	vm0 =	veq.s32 v6, $0x0;
	v9 =	vsel vm1, $0x1, v1;
	[tilespmem:s15+$0x0] =	vst v8  }
0xbe: {  	s2 =	sadd.s32 s31, s14;
	vm4 =	vlt.s32 v3, v2;
	v11 =	vsel vm2, $0x1, v1;
	s5 =	sadd.s32 s5, s6;
	v8 =	vsel vm0, $0x1, v1;
	[tilespmem:s19+$0xB420] =	vst v9  }
0xbf: {  	s10 =	sadd.s32 $0x10, s31;
	s1 =	sor.u32 $0x180, s1;
	s24 =	sand.u32 $0x40, s31;
	vm0 =	veq.s32 v3, $0x0;
	vm1 =	vne.s32 v3, v5;
	v9 =	vmov s2;
	[tilespmem:s5+$0x80] =	vst v8  }
0xc0: {  	s11 =	sand.u32 $0x50, s10;
	s4 =	simm.s32 $0x1;
	s9 =	sor.u32 s24, s6;
	vm3 =	veq.s32 v10, $0x0;
	v5 =	vsel vm0, $0x1, v1;
	[tilespmem:s1+$0xB420] =	vst v11;
	vm0 =	veq.s32 v9, v0  }
0xc1: {  	s13 =	sand.u32 $0x3, s29;
	s4 =	simm.s32 @!p4 $0x0;
	vm2 =	vgt.s32 v3, $0x0;
	[tilespmem:s9+$0x80] =	vst v5;
	v5 =	vsel vm3, $0x1, v1;
	s1 =	sor.u32 s11, s6;
	vm0 =	vmor vm0, vm1  }
0xc2: {  	s14 =	sshll.u32 s13, $0x5;
	s4 =	sshll.u32 s4, $0x6;
	vm2 =	vmand vm2, vm4;
	v4 =	vld.idx.msk [tilespmem:v4+s18+$0x0], $0xffff;
	[tilespmem:s1+$0x80] =	vst v5;
	vm3 =	vne.s32 v6, v7;
	v8 =	vsel vm0, $0x1, v1  }
0xc3: {  	s4 =	sadd.s32 s4, s30;
	s6 =	sadd.s32 s30, s14;
	vm1 =	vgt.s32 v6, $0x0;
	vm0 =	vlt.s32 v6, v2;
	v7 =	vsel vm3, $0x1, v1;
	[tilespmem:s9+$0x0] =	vst v8  }
0xc4: {  	s15 =	sor.u32 $0x100, s4;
	v5 =	vsel vm2, $0x1, v1;
	s16 =	sadd.s32 $0x20, s6;
	vm0 =	vmand vm1, vm0;
	[tilespmem:s5+$0x0] =	vst v7  }
0xc5: {  	vm2 =	veq.s32 v6, v2;
	s19 =	sor.u32 $0x100, s16;
	vm1 =	veq.s32 v3, v2;
	[tilespmem:s15+$0xB420] =	vst v5;
	v3 =	vsel vm0, $0x1, v1  }
0xc6: {  	vm3 =	vlt.s32 v10, v2;
	s2 =	sor.u32 $0x180, s16;
	[tilespmem:s19+$0xB420] =	vst v3;
	v3 =	vsel vm2, $0x1, v1  }
0xc7: {  	s4 =	sor.u32 $0x180, s4;
	vm0 =	vne.s32 v10, v4;
	v4 =	vsel vm1, $0x1, v1;
	vm1 =	vgt.s32 v10, $0x0;
	[tilespmem:s2+$0xB420] =	vst v3  }
0xc8: {  	s0 =	sadd.s32 $0x10, s0;
	[tilespmem:s4+$0xB420] =	vst v4;
	vm1 =	vmand vm1, vm3;
	v4 =	vsel vm0, $0x1, v1  }
0xc9: {  	s24 =	sor.u32 $0x100, s0;
	vm0 =	veq.s32 v10, v2;
	v3 =	vsel vm1, $0x1, v1;
	[tilespmem:s1+$0x0] =	vst v4  }
0xca: {  	s0 =	sor.u32 $0x180, s0;
	v4 =	vsel vm0, $0x1, v1;
	[tilespmem:s24+$0xB420] =	vst v3  }
0xcb: {  	[tilespmem:s0+$0xB420] =	vst v4  }
0xcc: {  	s4 =	simm.s32 $0xB420;
	s1 =	simm.s32 $0x0;
	s0 =	rddreg [dreg:$0xc]  }
0xcd: {  	[hbm4b:s0+s1] =	stream.linear.scatter [tilespmem:s4], [sflag:$0x4], $0x7800, $0x38;
	[tilespmem:$0x12C30] =	vst v63  }
0xce: {  	s5 =	rddreg [dreg:$0xd]  }
0xcf: {  	[tilespmem:s18], [sflag:$0x2] =	stream.linear.gather [hbm4b:s5+s1], $0x1E10, $0x38;
	[tilespmem:$0x12C30] =	vst v63  }
0xd0: {  	_ =	swait.ge [sflag:s21], $0x1E10  }
0xd1: {  	[sflag:s21] =	ssyncset.done $0x0  }
0xd2: {  	s6 =	simm.s32 $0xF;
	[sflag:s21] =	ssyncadd.s32 $0xFFFFE1F0  }
0xd3: {  	v3 =	vadd.s32 s6, v0;
	_ =	swait.ge [sflag:s25], $0x7800  }
0xd4: {  	[sflag:s25] =	ssyncset.done $0x0  }
0xd5: {  	s7 =	simm.s32 $0x0;
	[sflag:s25] =	ssyncadd.s32 $0xFFFF8800  }
0xd6: {  	s9 =	simm.s32 $0x1F;
	v4 =	vld [tilespmem:s7+$0x30]  }
0xd7: {  	v7 =	vadd.s32 s9, v0;
	v10 =	vld [tilespmem:s7+$0x40]  }
0xd8: {  	s8 =	simm.s32 $0x3F;
	v8 =	vld.idx.msk [tilespmem:v3+s3+$0x0], $0xffff  }
0xd9: {  	v6 =	vadd.s32 s8, v0;
	v5 =	vld [tilespmem:s7+$0x10]  }
0xda: {  	s10 =	rddreg [dreg:$0x5];
	v3 =	vld [tilespmem:s7+$0x20]  }
0xdb: {  	s11 =	simm.s32 $0x2F;
	s2 =	sadd.s32 $0x0, s10  }
0xdc: {  	v11 =	vadd.s32 s11, v0;
	v13 =	vld.idx.msk [tilespmem:v7+s3+$0x0], $0xffff;
	v7 =	vmov s2  }
0xdd: {  	s29 =	simm.s32 $0x2;
	s31 =	simm.s32 $0x40;
	vm5 =	veq.s32 v7, v0;
	vm0 =	vgt.s32 v4, $0x0;
	vm1 =	vlt.s32 v4, v2  }
0xde: {  	p4 =	por $0x0, $0x0;
	s14 =	simm.s32 $0x30;
	s30 =	simm.s32 $0x100;
	v12 =	vld.idx.msk [tilespmem:v6+s3+$0x0], $0xffff;
	vm3 =	veq.s32 v4, $0x0;
	vm2 =	veq.s32 v10, v2;
	vm4 =	vgt.s32 v10, $0x0  }
0xdf: {  	s15 =	simm.s32 $0x20;
	s13 =	sand.u32 $0x7E00, s1;
	s19 =	sand.u32 $0x7, s1;
	vm6 =	vlt.s32 v10, v2;
	vm8 =	veq.s32 v5, $0x0;
	vm7 =	veq.s32 v3, $0x0  }
0xe0: {  	s16 =	sand.u32 $0x40, s1;
	s24 =	sadd.s32 $0x3C20, s13;
	s6 =	sshll.u32 s19, $0x4;
	vm9 =	vlt.s32 v5, v2;
	vm0 =	vmand vm0, vm1;
	v6 =	vsel vm3, $0x1, v1  }
0xe1: {  	s19 =	simm.s32 $0x0;
	s4 =	simm.s32 $0x4;
	s0 =	simm.s32 $0x1;
	vm1 =	veq.s32 v10, $0x0;
	vm3 =	vne.s32 v5, v8;
	v8 =	vsel vm8, $0x1, v1  }
0xe2: {  	s0 =	simm.s32 @!p4 $0x0;
	p4 =	por !p4, !p4;
	s7 =	sand.u32 $0x70, s14;
	vm8 =	vmand vm4, vm6;
	v9 =	vsel vm1, $0x1, v1;
	vm1 =	vgt.s32 v5, $0x0  }
0xe3: {  	s5 =	sand.u32 $0x3, s1;
	s2 =	simm.s32 $0x4;
	v7 =	vld.idx.msk [tilespmem:v11+s3+$0x0], $0xffff;
	s8 =	sadd.s32 s7, s24;
	vm4 =	vmand vm1, vm9;
	vm1 =	vne.s32 v3, v13;
	vm9 =	vne.s32 v10, v12  }
.LBB2_6:
0xe4: {  	s4 =	sadd.s32 $0x4, s4;
	s7 =	sadd.s32 $0xF, s31;
	s9 =	sadd.s32 s6, s1  }
0xe5: {  	s6 =	smov.u32 s2;
	s13 =	sadd.s32 $0x1F, s31;
	s10 =	sadd.s32 $0x2F, s31  }
0xe6: {  	vm6 =	veq.s32 v5, v2;
	[tilespmem:s8+$0x80] =	vst v9;
	v11 =	vsel vm9, $0x1, v1;
	s14 =	sadd.s32 $0x3F, s31;
	s0 =	sshll.u32 s0, $0x6;
	s5 =	sshll.u32 s5, $0x5  }
0xe7: {  	vm10 =	vgt.s32 v3, $0x0;
	v9 =	vadd.s32 s7, v0;
	s11 =	sadd.s32 $0x30, s9;
	v13 =	vadd.s32 s10, v0;
	s7 =	sadd.s32 $0x10, s9;
	[tilespmem:s8+$0x0] =	vst v11;
	s10 =	sor.u32 s16, s24  }
0xe8: {  	v5 =	vsel vm8, $0x1, v1;
	v10 =	vsel vm0, $0x1, v1;
	v12 =	vadd.s32 s13, v0;
	s9 =	sshra.s32 s30, $0x2;
	s16 =	sadd.s32 $0x10, s19;
	s13 =	sor.u32 $0x100, s11;
	[tilespmem:s10+$0x80] =	vst v8  }
0xe9: {  	vm0 =	vlt.s32 v3, v2;
	v14 =	vsel vm2, $0x1, v1;
	s2 =	sadd.s32 $0x4, s2;
	v11 =	vadd.s32 s14, v0;
	s14 =	sor.u32 $0x180, s11;
	v15 =	vld [tilespmem:s9+$0x30];
	s19 =	sand.u32 $0x50, s16;
	[tilespmem:s13+$0x3C20] =	vst v5  }
0xea: {  	p5 =	slt.u32 s4, $0x1DC;
	vm8 =	vmand vm10, vm0;
	vm0 =	veq.s32 v3, v2;
	v3 =	vld [tilespmem:s9+$0x20];
	v5 =	vsel vm7, $0x1, v1;
	s13 =	sand.u32 $0x60, s15;
	s8 =	sor.u32 s19, s24;
	[tilespmem:s14+$0x3C20] =	vst v14  }
0xeb: {  	vm2 =	veq.s32 v4, v2;
	s6 =	sand.u32 $0x7, s6;
	s16 =	sadd.s32 s0, s1;
	v16 =	vsel vm0, $0x1, v1;
	vm0 =	vne.s32 v4, v7;
	s11 =	sadd.s32 s13, s24;
	[tilespmem:s8+$0x80] =	vst v5;
	v5 =	vld [tilespmem:s9+$0x10]  }
0xec: {  	vm3 =	vmor vm5, vm3;
	v18 =	vsel vm1, $0x1, v1;
	s6 =	sshll.u32 s6, $0x4;
	s15 =	sadd.s32 s1, s5;
	s14 =	simm.s32 $0x1;
	v14 =	vld [tilespmem:s9+$0x40];
	[tilespmem:s11+$0x80] =	vst v6;
	v6 =	vsel vm0, $0x1, v1  }
0xed: {  	v17 =	vsel vm2, $0x1, v1;
	v7 =	vsel vm4, $0x1, v1;
	s19 =	sor.u32 $0x100, s16;
	s13 =	sand.u32 $0x3, s29;
	s14 =	simm.s32 @!p4 $0x0;
	v8 =	vld.idx.msk [tilespmem:v9+s3+$0x0], $0xffff;
	v9 =	vsel vm3, $0x1, v1;
	[tilespmem:s11+$0x0] =	vst v6  }
0xee: {  	v63 =	vsel vm8, $0x1, v1;
	s24 =	sadd.s32 $0x20, s15;
	s0 =	smov.u32 s14;
	s14 =	rddreg [dreg:$0x5];
	v11 =	vld.idx.msk [tilespmem:v11+s3+$0x0], $0xffff;
	[tilespmem:s10+$0x0] =	vst v9;
	vm1 =	veq.s32 v15, $0x0;
	vm0 =	vgt.s32 v15, $0x0  }
0xef: {  	s5 =	smov.u32 s13;
	s13 =	sor.u32 $0x100, s24;
	v12 =	vld.idx.msk [tilespmem:v12+s3+$0x0], $0xffff;
	vm2 =	vlt.s32 v15, v2;
	s9 =	sadd.s32 s31, s14;
	v9 =	vsel vm6, $0x1, v1;
	vm7 =	veq.s32 v3, $0x0;
	[tilespmem:s19+$0x3C20] =	vst v7  }
0xf0: {  	s1 =	smov.u32 s30;
	s15 =	sadd.s32 $0x20, s31;
	s29 =	sadd.s32 $0x2, s29;
	vm0 =	vmand vm0, vm2;
	v7 =	vld.idx.msk [tilespmem:v13+s3+$0x0], $0xffff;
	v6 =	vsel vm1, $0x1, v1;
	[tilespmem:s13+$0x3C20] =	vst v10;
	v10 =	vmov s9  }
.Ltmp4:
0xf1: {  	p4 =	por !p4, !p4;
	[tilespmem:s8+$0x0] =	vst v18;
	s10 =	sor.u32 $0x100, s7;
	vm8 =	veq.s32 v5, $0x0;
	vm5 =	veq.s32 v10, v0;
	vm9 =	vlt.s32 v5, v2;
	(pc) =	sbr.rel @p5 .LBB2_6-.Ltmp4, $4  }
0xf2: {  	s24 =	sor.u32 $0x180, s24;
	s14 =	sor.u32 $0x180, s16;
	s19 =	smov.u32 s31;
	[tilespmem:s10+$0x3C20] =	vst v63;
	vm2 =	veq.s32 v14, v2;
	vm1 =	veq.s32 v14, $0x0;
	vm4 =	vgt.s32 v14, $0x0  }
0xf3: {  	s11 =	sand.u32 $0x7E00, s30;
	s30 =	sadd.s32 $0x100, s30;
	[tilespmem:s14+$0x3C20] =	vst v9;
	s13 =	sadd.s32 $0x30, s19;
	vm6 =	vlt.s32 v14, v2;
	vm3 =	vne.s32 v5, v8;
	v9 =	vsel vm1, $0x1, v1  }
0xf4: {  	s7 =	sor.u32 $0x180, s7;
	[tilespmem:s24+$0x3C20] =	vst v17;
	s24 =	sadd.s32 $0x3C20, s11;
	s14 =	sand.u32 $0x70, s13;
	vm1 =	vgt.s32 v5, $0x0;
	v8 =	vsel vm8, $0x1, v1;
	vm8 =	vmand vm4, vm6  }
0xf5: {  	v4 =	vmovc v15;
	s16 =	sand.u32 $0x40, s31;
	s31 =	sadd.s32 $0x40, s31;
	[tilespmem:s7+$0x3C20] =	vst v16;
	s8 =	sadd.s32 s14, s24;
	vm4 =	vmand vm1, vm9;
	vm1 =	vne.s32 v3, v12;
	vm9 =	vne.s32 v14, v11  }
0xf6: {  	[tilespmem:s8+$0x80] =	vst v9;
	v9 =	vsel vm9, $0x1, v1  }
0xf7: {  	s4 =	sadd.s32 s6, s1;
	s14 =	sor.u32 s16, s24;
	s9 =	sand.u32 $0x60, s15;
	[tilespmem:s8+$0x0] =	vst v9  }
0xf8: {  	s6 =	sadd.s32 $0x30, s4;
	[tilespmem:s14+$0x80] =	vst v8;
	s9 =	sadd.s32 s9, s24  }
0xf9: {  	v10 =	vsel vm8, $0x1, v1;
	v9 =	vsel vm2, $0x1, v1;
	vm2 =	vmor vm5, vm3;
	s7 =	sor.u32 $0x100, s6;
	[tilespmem:s9+$0x80] =	vst v6  }
0xfa: {  	s16 =	sadd.s32 $0x10, s19;
	s19 =	sadd.s32 $0x3F, s31;
	s0 =	sshll.u32 s0, $0x6;
	v6 =	vsel vm2, $0x1, v1;
	[tilespmem:s7+$0x3C20] =	vst v10  }
0xfb: {  	v8 =	vadd.s32 s19, v0;
	s0 =	sadd.s32 s0, s1;
	s6 =	sor.u32 $0x180, s6;
	[tilespmem:s14+$0x0] =	vst v6  }
0xfc: {  	s5 =	sshll.u32 s5, $0x5;
	vm2 =	vne.s32 v4, v7;
	v7 =	vsel vm4, $0x1, v1;
	s14 =	sor.u32 $0x100, s0;
	[tilespmem:s6+$0x3C20] =	vst v9  }
0xfd: {  	s15 =	sadd.s32 $0xF, s31;
	s8 =	sand.u32 $0x50, s16;
	s13 =	sadd.s32 s1, s5;
	v6 =	vsel vm2, $0x1, v1;
	[tilespmem:s14+$0x3C20] =	vst v7  }
0xfe: {  	s16 =	sshra.s32 s30, $0x2;
	s8 =	sor.u32 s8, s24;
	s1 =	sadd.s32 $0x20, s13;
	v9 =	vsel vm7, $0x1, v1;
	[tilespmem:s9+$0x0] =	vst v6  }
0xff: {  	vm2 =	veq.s32 v5, v2;
	v5 =	vadd.s32 s15, v0;
	s19 =	sor.u32 $0x100, s1;
	v7 =	vsel vm0, $0x1, v1;
	[tilespmem:s8+$0x80] =	vst v9;
	v9 =	vld [tilespmem:s16+$0x40]  }
0x100: {  	s0 =	sor.u32 $0x180, s0;
	vm0 =	veq.s32 v4, v2;
	v6 =	vsel vm2, $0x1, v1;
	[tilespmem:s19+$0x3C20] =	vst v7;
	v4 =	vld.idx.msk [tilespmem:v8+s3+$0x0], $0xffff  }
0x101: {  	vm3 =	vlt.s32 v3, v2;
	s7 =	sor.u32 $0x180, s1;
	vm2 =	vgt.s32 v3, $0x0;
	s9 =	sadd.s32 $0x2F, s31;
	v7 =	vsel vm0, $0x1, v1;
	[tilespmem:s0+$0x3C20] =	vst v6  }
0x102: {  	s11 =	sand.u32 $0x7E00, s30;
	s2 =	sand.u32 $0x7, s2;
	s4 =	sadd.s32 $0x10, s4;
	vm0 =	vmand vm2, vm3;
	v6 =	vld [tilespmem:s16+$0x30];
	v8 =	vsel vm1, $0x1, v1;
	[tilespmem:s7+$0x3C20] =	vst v7;
	v7 =	vadd.s32 s9, v0  }
0x103: {  	s10 =	sor.u32 $0x100, s4;
	s13 =	sadd.s32 $0x30, s31;
	s4 =	sor.u32 $0x180, s4;
	vm1 =	veq.s32 v3, v2;
	v3 =	vld [tilespmem:s16+$0x10];
	v10 =	vsel vm0, $0x1, v1;
	[tilespmem:s8+$0x0] =	vst v8  }
0x104: {  	s15 =	sshll.u32 s2, $0x4;
	s6 =	sadd.s32 $0x3C20, s11;
	s14 =	sand.u32 $0x70, s13;
	v8 =	vsel vm1, $0x1, v1;
	v5 =	vld.idx.msk [tilespmem:v5+s3+$0x0], $0xffff;
	[tilespmem:s10+$0x3C20] =	vst v10;
	vm0 =	veq.s32 v9, $0x0;
	vm1 =	vgt.s32 v9, $0x0  }
0x105: {  	s24 =	sadd.s32 $0x1F, s31;
	s19 =	sadd.s32 s14, s6;
	s0 =	sadd.s32 s15, s30;
	v10 =	vld [tilespmem:s16+$0x20];
	[tilespmem:s4+$0x3C20] =	vst v8;
	vm2 =	vlt.s32 v9, v2;
	v11 =	vsel vm0, $0x1, v1;
	vm0 =	vne.s32 v9, v4  }
0x106: {  	s1 =	sadd.s32 $0x30, s0;
	s16 =	rddreg [dreg:$0x5];
	v4 =	vadd.s32 s24, v0;
	vm1 =	vmand vm1, vm2;
	s24 =	sadd.s32 $0x20, s31;
	[tilespmem:s19+$0x80] =	vst v11;
	v8 =	vsel vm0, $0x1, v1  }
0x107: {  	s8 =	sor.u32 $0x100, s1;
	vm2 =	veq.s32 v9, v2;
	v7 =	vld.idx.msk [tilespmem:v7+s3+$0x0], $0xffff;
	vm0 =	veq.s32 v6, $0x0;
	v9 =	vsel vm1, $0x1, v1;
	s5 =	sand.u32 $0x60, s24;
	[tilespmem:s19+$0x0] =	vst v8  }
0x108: {  	s2 =	sadd.s32 s31, s16;
	vm4 =	vlt.s32 v3, v2;
	v11 =	vsel vm2, $0x1, v1;
	v8 =	vsel vm0, $0x1, v1;
	s5 =	sadd.s32 s5, s6;
	[tilespmem:s8+$0x3C20] =	vst v9  }
0x109: {  	s11 =	sadd.s32 $0x10, s31;
	s9 =	sand.u32 $0x40, s31;
	s1 =	sor.u32 $0x180, s1;
	vm0 =	veq.s32 v3, $0x0;
	vm1 =	vne.s32 v3, v5;
	v9 =	vmov s2;
	[tilespmem:s5+$0x80] =	vst v8  }
0x10a: {  	s13 =	sand.u32 $0x50, s11;
	s10 =	sor.u32 s9, s6;
	s4 =	simm.s32 $0x1;
	vm3 =	veq.s32 v10, $0x0;
	v5 =	vsel vm0, $0x1, v1;
	[tilespmem:s1+$0x3C20] =	vst v11;
	vm0 =	veq.s32 v9, v0  }
0x10b: {  	s14 =	sand.u32 $0x3, s29;
	s4 =	simm.s32 @!p4 $0x0;
	vm2 =	vgt.s32 v3, $0x0;
	[tilespmem:s10+$0x80] =	vst v5;
	v5 =	vsel vm3, $0x1, v1;
	s1 =	sor.u32 s13, s6;
	vm0 =	vmor vm0, vm1  }
0x10c: {  	s15 =	sshll.u32 s14, $0x5;
	s4 =	sshll.u32 s4, $0x6;
	vm2 =	vmand vm2, vm4;
	v4 =	vld.idx.msk [tilespmem:v4+s3+$0x0], $0xffff;
	[tilespmem:s1+$0x80] =	vst v5;
	vm3 =	vne.s32 v6, v7;
	v8 =	vsel vm0, $0x1, v1  }
0x10d: {  	s4 =	sadd.s32 s4, s30;
	s6 =	sadd.s32 s30, s15;
	vm1 =	vgt.s32 v6, $0x0;
	vm0 =	vlt.s32 v6, v2;
	v7 =	vsel vm3, $0x1, v1;
	[tilespmem:s10+$0x0] =	vst v8  }
0x10e: {  	s16 =	sor.u32 $0x100, s4;
	v5 =	vsel vm2, $0x1, v1;
	s19 =	sadd.s32 $0x20, s6;
	vm0 =	vmand vm1, vm0;
	[tilespmem:s5+$0x0] =	vst v7  }
0x10f: {  	vm2 =	veq.s32 v6, v2;
	s24 =	sor.u32 $0x100, s19;
	vm1 =	veq.s32 v3, v2;
	[tilespmem:s16+$0x3C20] =	vst v5;
	v3 =	vsel vm0, $0x1, v1  }
0x110: {  	vm3 =	vlt.s32 v10, v2;
	s2 =	sor.u32 $0x180, s19;
	[tilespmem:s24+$0x3C20] =	vst v3;
	v3 =	vsel vm2, $0x1, v1  }
0x111: {  	s4 =	sor.u32 $0x180, s4;
	vm0 =	vne.s32 v10, v4;
	v4 =	vsel vm1, $0x1, v1;
	vm1 =	vgt.s32 v10, $0x0;
	[tilespmem:s2+$0x3C20] =	vst v3  }
0x112: {  	s0 =	sadd.s32 $0x10, s0;
	[tilespmem:s4+$0x3C20] =	vst v4;
	vm1 =	vmand vm1, vm3;
	v4 =	vsel vm0, $0x1, v1  }
0x113: {  	s5 =	sor.u32 $0x100, s0;
	vm0 =	veq.s32 v10, v2;
	v3 =	vsel vm1, $0x1, v1;
	[tilespmem:s1+$0x0] =	vst v4  }
0x114: {  	s0 =	sor.u32 $0x180, s0;
	v4 =	vsel vm0, $0x1, v1;
	[tilespmem:s5+$0x3C20] =	vst v3  }
0x115: {  	[tilespmem:s0+$0x3C20] =	vst v4  }
0x116: {  	s0 =	rddreg [dreg:$0xe]  }
0x117: {  	[hbm4b:s0+s3] =	stream.linear.scatter [tilespmem:s22], [sflag:$0x3], $0x7800, $0x38;
	[tilespmem:$0x12C30] =	vst v63  }
0x118: {  	s1 =	rddreg [dreg:$0xf];
	s0 =	simm.s32 @!p1 $0x0  }
0x119: {  	[tilespmem:s0], [sflag:$0x1] =	stream.linear.gather @!p1 [hbm4b:s1+s0], $0x1E10, $0x38;
	[tilespmem:$0x12C30] =	vst v63  }
0x11a: {  	s0 =	simm.s32 @!p2 $0x0;
	s1 =	rddreg [dreg:$0x10]  }
0x11b: {  	[tilespmem:s0], [sflag:$0x1] =	stream.linear.gather @!p2 [hbm4b:s1+s0], $0x650, $0x38;
	[tilespmem:$0x12C30] =	vst v63  }
0x11c: {  	_ =	swait.ge [sflag:s23], $0x1E10  }
0x11d: {  	[sflag:s23] =	ssyncset.done $0x0  }
0x11e: {  	s6 =	simm.s32 $0xF;
	[sflag:s23] =	ssyncadd.s32 $0xFFFFE1F0  }
0x11f: {  	v3 =	vadd.s32 s6, v0;
	_ =	swait.ge [sflag:s26], $0x7800  }
0x120: {  	[sflag:s26] =	ssyncset.done $0x0  }
0x121: {  	s7 =	simm.s32 $0x0;
	[sflag:s26] =	ssyncadd.s32 $0xFFFF8800  }
0x122: {  	s9 =	simm.s32 $0x1F;
	v4 =	vld [tilespmem:s7+$0x1E40]  }
0x123: {  	v7 =	vadd.s32 s9, v0;
	v10 =	vld [tilespmem:s7+$0x1E50]  }
0x124: {  	s8 =	simm.s32 $0x3F;
	v8 =	vld.idx.msk [tilespmem:v3+s18+$0x0], $0xffff  }
0x125: {  	v6 =	vadd.s32 s8, v0;
	v5 =	vld [tilespmem:s7+$0x1E20]  }
0x126: {  	s10 =	rddreg [dreg:$0x6];
	v3 =	vld [tilespmem:s7+$0x1E30]  }
0x127: {  	s11 =	simm.s32 $0x2F;
	s2 =	sadd.s32 $0x0, s10  }
0x128: {  	v11 =	vadd.s32 s11, v0;
	v13 =	vld.idx.msk [tilespmem:v7+s18+$0x0], $0xffff;
	v7 =	vmov s2  }
0x129: {  	s29 =	simm.s32 $0x2;
	s14 =	simm.s32 $0x30;
	p4 =	por $0x0, $0x0;
	vm5 =	veq.s32 v7, v0;
	vm0 =	vgt.s32 v4, $0x0;
	vm1 =	vlt.s32 v4, v2  }
0x12a: {  	s31 =	simm.s32 $0x40;
	s15 =	simm.s32 $0x20;
	s30 =	simm.s32 $0x100;
	v12 =	vld.idx.msk [tilespmem:v6+s18+$0x0], $0xffff;
	vm3 =	veq.s32 v4, $0x0;
	vm2 =	veq.s32 v10, v2;
	vm4 =	vgt.s32 v10, $0x0  }
0x12b: {  	s4 =	simm.s32 $0x4;
	s1 =	simm.s32 $0x0;
	s0 =	simm.s32 $0x1;
	vm6 =	vlt.s32 v10, v2;
	vm8 =	veq.s32 v5, $0x0;
	vm7 =	veq.s32 v3, $0x0  }
0x12c: {  	s0 =	simm.s32 @!p4 $0x0;
	s5 =	sand.u32 $0x3, s1;
	p4 =	por !p4, !p4;
	vm9 =	vlt.s32 v5, v2;
	vm0 =	vmand vm0, vm1;
	v6 =	vsel vm3, $0x1, v1  }
0x12d: {  	s16 =	sand.u32 $0x40, s1;
	s13 =	sand.u32 $0x7E00, s1;
	s19 =	sand.u32 $0x7, s1;
	vm1 =	veq.s32 v10, $0x0;
	vm3 =	vne.s32 v5, v8;
	v8 =	vsel vm8, $0x1, v1  }
0x12e: {  	s24 =	sadd.s32 $0xB420, s13;
	s6 =	sshll.u32 s19, $0x4;
	s7 =	sand.u32 $0x70, s14;
	vm8 =	vmand vm4, vm6;
	v9 =	vsel vm1, $0x1, v1;
	vm1 =	vgt.s32 v5, $0x0  }
0x12f: {  	s19 =	simm.s32 $0x0;
	s2 =	simm.s32 $0x4;
	v7 =	vld.idx.msk [tilespmem:v11+s18+$0x0], $0xffff;
	s8 =	sadd.s32 s7, s24;
	vm4 =	vmand vm1, vm9;
	vm1 =	vne.s32 v3, v13;
	vm9 =	vne.s32 v10, v12  }
.LBB2_8:
0x130: {  	s4 =	sadd.s32 $0x4, s4;
	s7 =	sadd.s32 $0xF, s31;
	s9 =	sadd.s32 s6, s1  }
0x131: {  	s6 =	smov.u32 s2;
	s13 =	sadd.s32 $0x1F, s31;
	s10 =	sadd.s32 $0x2F, s31  }
0x132: {  	vm6 =	veq.s32 v5, v2;
	[tilespmem:s8+$0x80] =	vst v9;
	v11 =	vsel vm9, $0x1, v1;
	s14 =	sadd.s32 $0x3F, s31;
	s0 =	sshll.u32 s0, $0x6;
	s5 =	sshll.u32 s5, $0x5  }
0x133: {  	vm10 =	vgt.s32 v3, $0x0;
	v9 =	vadd.s32 s7, v0;
	s11 =	sadd.s32 $0x30, s9;
	v13 =	vadd.s32 s10, v0;
	s7 =	sadd.s32 $0x10, s9;
	[tilespmem:s8+$0x0] =	vst v11;
	s10 =	sor.u32 s16, s24  }
0x134: {  	v5 =	vsel vm8, $0x1, v1;
	v10 =	vsel vm0, $0x1, v1;
	v12 =	vadd.s32 s13, v0;
	s9 =	sshra.s32 s30, $0x2;
	s16 =	sadd.s32 $0x10, s19;
	s13 =	sor.u32 $0x100, s11;
	[tilespmem:s10+$0x80] =	vst v8  }
0x135: {  	vm0 =	vlt.s32 v3, v2;
	v14 =	vsel vm2, $0x1, v1;
	s2 =	sadd.s32 $0x4, s2;
	v11 =	vadd.s32 s14, v0;
	s14 =	sor.u32 $0x180, s11;
	v15 =	vld [tilespmem:s9+$0x1E40];
	s19 =	sand.u32 $0x50, s16;
	[tilespmem:s13+$0xB420] =	vst v5  }
0x136: {  	p5 =	slt.u32 s4, $0x1DC;
	vm8 =	vmand vm10, vm0;
	vm0 =	veq.s32 v3, v2;
	v3 =	vld [tilespmem:s9+$0x1E30];
	v5 =	vsel vm7, $0x1, v1;
	s13 =	sand.u32 $0x60, s15;
	s8 =	sor.u32 s19, s24;
	[tilespmem:s14+$0xB420] =	vst v14  }
0x137: {  	vm2 =	veq.s32 v4, v2;
	s6 =	sand.u32 $0x7, s6;
	s16 =	sadd.s32 s0, s1;
	v16 =	vsel vm0, $0x1, v1;
	vm0 =	vne.s32 v4, v7;
	s11 =	sadd.s32 s13, s24;
	[tilespmem:s8+$0x80] =	vst v5;
	v5 =	vld [tilespmem:s9+$0x1E20]  }
0x138: {  	vm3 =	vmor vm5, vm3;
	v18 =	vsel vm1, $0x1, v1;
	s6 =	sshll.u32 s6, $0x4;
	s15 =	sadd.s32 s1, s5;
	s14 =	simm.s32 $0x1;
	v14 =	vld [tilespmem:s9+$0x1E50];
	[tilespmem:s11+$0x80] =	vst v6;
	v6 =	vsel vm0, $0x1, v1  }
0x139: {  	v17 =	vsel vm2, $0x1, v1;
	v7 =	vsel vm4, $0x1, v1;
	s19 =	sor.u32 $0x100, s16;
	s13 =	sand.u32 $0x3, s29;
	s14 =	simm.s32 @!p4 $0x0;
	v8 =	vld.idx.msk [tilespmem:v9+s18+$0x0], $0xffff;
	v9 =	vsel vm3, $0x1, v1;
	[tilespmem:s11+$0x0] =	vst v6  }
0x13a: {  	v63 =	vsel vm8, $0x1, v1;
	s24 =	sadd.s32 $0x20, s15;
	s0 =	smov.u32 s14;
	s14 =	rddreg [dreg:$0x6];
	v11 =	vld.idx.msk [tilespmem:v11+s18+$0x0], $0xffff;
	[tilespmem:s10+$0x0] =	vst v9;
	vm1 =	veq.s32 v15, $0x0;
	vm0 =	vgt.s32 v15, $0x0  }
0x13b: {  	s5 =	smov.u32 s13;
	s13 =	sor.u32 $0x100, s24;
	v12 =	vld.idx.msk [tilespmem:v12+s18+$0x0], $0xffff;
	vm2 =	vlt.s32 v15, v2;
	s9 =	sadd.s32 s31, s14;
	v9 =	vsel vm6, $0x1, v1;
	vm7 =	veq.s32 v3, $0x0;
	[tilespmem:s19+$0xB420] =	vst v7  }
0x13c: {  	s1 =	smov.u32 s30;
	s15 =	sadd.s32 $0x20, s31;
	s29 =	sadd.s32 $0x2, s29;
	vm0 =	vmand vm0, vm2;
	v7 =	vld.idx.msk [tilespmem:v13+s18+$0x0], $0xffff;
	v6 =	vsel vm1, $0x1, v1;
	[tilespmem:s13+$0xB420] =	vst v10;
	v10 =	vmov s9  }
.Ltmp5:
0x13d: {  	p4 =	por !p4, !p4;
	[tilespmem:s8+$0x0] =	vst v18;
	s10 =	sor.u32 $0x100, s7;
	vm8 =	veq.s32 v5, $0x0;
	vm5 =	veq.s32 v10, v0;
	vm9 =	vlt.s32 v5, v2;
	(pc) =	sbr.rel @p5 .LBB2_8-.Ltmp5, $4  }
0x13e: {  	s24 =	sor.u32 $0x180, s24;
	s14 =	sor.u32 $0x180, s16;
	s19 =	smov.u32 s31;
	[tilespmem:s10+$0xB420] =	vst v63;
	vm2 =	veq.s32 v14, v2;
	vm1 =	veq.s32 v14, $0x0;
	vm4 =	vgt.s32 v14, $0x0  }
0x13f: {  	s11 =	sand.u32 $0x7E00, s30;
	s30 =	sadd.s32 $0x100, s30;
	[tilespmem:s14+$0xB420] =	vst v9;
	s13 =	sadd.s32 $0x30, s19;
	vm6 =	vlt.s32 v14, v2;
	vm3 =	vne.s32 v5, v8;
	v9 =	vsel vm1, $0x1, v1  }
0x140: {  	s7 =	sor.u32 $0x180, s7;
	[tilespmem:s24+$0xB420] =	vst v17;
	s24 =	sadd.s32 $0xB420, s11;
	s14 =	sand.u32 $0x70, s13;
	vm1 =	vgt.s32 v5, $0x0;
	v8 =	vsel vm8, $0x1, v1;
	vm8 =	vmand vm4, vm6  }
0x141: {  	v4 =	vmovc v15;
	s16 =	sand.u32 $0x40, s31;
	s31 =	sadd.s32 $0x40, s31;
	[tilespmem:s7+$0xB420] =	vst v16;
	s8 =	sadd.s32 s14, s24;
	vm4 =	vmand vm1, vm9;
	vm1 =	vne.s32 v3, v12;
	vm9 =	vne.s32 v14, v11  }
0x142: {  	[tilespmem:s8+$0x80] =	vst v9;
	v32 =	vsel vm9, $0x1, v1  }
0x143: {  	s14 =	sor.u32 s16, s24;
	s9 =	sand.u32 $0x60, s15;
	[tilespmem:s8+$0x0] =	vst v32  }
0x144: {  	v10 =	vsel vm8, $0x1, v1;
	vm8 =	vmor vm5, vm3;
	[tilespmem:s14+$0x80] =	vst v8;
	s9 =	sadd.s32 s9, s24  }
0x145: {  	s4 =	sadd.s32 s6, s1;
	vm9 =	vne.s32 v4, v7;
	v36 =	vsel vm8, $0x1, v1;
	[tilespmem:s9+$0x80] =	vst v6  }
0x146: {  	s16 =	sadd.s32 $0x10, s19;
	s19 =	sadd.s32 $0x3F, s31;
	s6 =	sadd.s32 $0x30, s4;
	v38 =	vsel vm9, $0x1, v1;
	[tilespmem:s14+$0x0] =	vst v36  }
0x147: {  	s0 =	sshll.u32 s0, $0x6;
	s8 =	sand.u32 $0x50, s16;
	s7 =	sor.u32 $0x100, s6;
	[tilespmem:s9+$0x0] =	vst v38  }
0x148: {  	v35 =	vsel vm7, $0x1, v1;
	s5 =	sshll.u32 s5, $0x5;
	s0 =	sadd.s32 s0, s1;
	s8 =	sor.u32 s8, s24;
	[tilespmem:s7+$0xB420] =	vst v10  }
0x149: {  	v37 =	vsel vm4, $0x1, v1;
	s15 =	sadd.s32 $0xF, s31;
	v34 =	vadd.s32 s19, v0;
	s16 =	sshra.s32 s30, $0x2;
	s14 =	sor.u32 $0x100, s0;
	[tilespmem:s8+$0x80] =	vst v35  }
0x14a: {  	v46 =	vsel vm1, $0x1, v1;
	s13 =	sadd.s32 s1, s5;
	v39 =	vadd.s32 s15, v0;
	v41 =	vld [tilespmem:s16+$0x1E50];
	[tilespmem:s14+$0xB420] =	vst v37  }
0x14b: {  	v33 =	vsel vm2, $0x1, v1;
	vm10 =	veq.s32 v5, v2;
	v40 =	vsel vm0, $0x1, v1;
	s11 =	sand.u32 $0x7E00, s30;
	s6 =	sor.u32 $0x180, s6;
	s1 =	sadd.s32 $0x20, s13;
	v45 =	vld [tilespmem:s16+$0x1E40];
	[tilespmem:s8+$0x0] =	vst v46  }
0x14c: {  	vm12 =	vgt.s32 v3, $0x0;
	vm13 =	vlt.s32 v3, v2;
	vm15 =	veq.s32 v3, v2;
	s2 =	sand.u32 $0x7, s2;
	s4 =	sadd.s32 $0x10, s4;
	v3 =	vld [tilespmem:s16+$0x1E20];
	s19 =	sor.u32 $0x100, s1;
	[tilespmem:s6+$0xB420] =	vst v33  }
0x14d: {  	v43 =	vsel vm10, $0x1, v1;
	vm14 =	vmand vm12, vm13;
	s15 =	sshll.u32 s2, $0x4;
	s0 =	sor.u32 $0x180, s0;
	s9 =	sadd.s32 $0x2F, s31;
	v50 =	vld [tilespmem:s16+$0x1E30];
	[tilespmem:s19+$0xB420] =	vst v40  }
0x14e: {  	vm11 =	veq.s32 v4, v2;
	s24 =	sadd.s32 $0x1F, s31;
	s10 =	sor.u32 $0x100, s4;
	v48 =	vsel vm14, $0x1, v1;
	s16 =	rddreg [dreg:$0x6];
	v47 =	vadd.s32 s9, v0;
	[tilespmem:s0+$0xB420] =	vst v43;
	v42 =	vld.idx.msk [tilespmem:v34+s18+$0x0], $0xffff  }
0x14f: {  	v44 =	vsel vm11, $0x1, v1;
	v49 =	vsel vm15, $0x1, v1;
	s13 =	sadd.s32 $0x30, s31;
	s7 =	sor.u32 $0x180, s1;
	s2 =	sadd.s32 s31, s16;
	[tilespmem:s10+$0xB420] =	vst v48;
	v5 =	vld.idx.msk [tilespmem:v39+s18+$0x0], $0xffff  }
0x150: {  	s4 =	sor.u32 $0x180, s4;
	s14 =	sand.u32 $0x70, s13;
	v51 =	vadd.s32 s24, v0;
	s6 =	sadd.s32 $0xB420, s11;
	v56 =	vmov s2;
	[tilespmem:s7+$0xB420] =	vst v44;
	vm4 =	veq.s32 v41, $0x0  }
0x151: {  	s24 =	sadd.s32 $0x20, s31;
	s10 =	sand.u32 $0x40, s31;
	s19 =	sadd.s32 s14, s6;
	[tilespmem:s4+$0xB420] =	vst v49;
	vm12 =	veq.s32 v56, v0;
	vm10 =	veq.s32 v3, $0x0;
	v11 =	vsel vm4, $0x1, v1  }
0x152: {  	s5 =	sand.u32 $0x60, s24;
	s11 =	sor.u32 s10, s6;
	vm5 =	vgt.s32 v41, $0x0;
	vm8 =	veq.s32 v45, $0x0;
	v57 =	vsel vm10, $0x1, v1;
	[tilespmem:s19+$0x80] =	vst v11  }
0x153: {  	s0 =	sadd.s32 s15, s30;
	s5 =	sadd.s32 s5, s6;
	vm6 =	vlt.s32 v41, v2;
	v7 =	vld.idx.msk [tilespmem:v47+s18+$0x0], $0xffff;
	v54 =	vsel vm8, $0x1, v1;
	[tilespmem:s11+$0x80] =	vst v57;
	vm7 =	vne.s32 v41, v42  }
0x154: {  	s1 =	sadd.s32 $0x30, s0;
	s4 =	simm.s32 $0x1;
	vm1 =	vmand vm5, vm6;
	[tilespmem:s5+$0x80] =	vst v54;
	vm11 =	vne.s32 v3, v5;
	v52 =	vsel vm7, $0x1, v1  }
0x155: {  	s9 =	sor.u32 $0x100, s1;
	s4 =	simm.s32 @!p4 $0x0;
	vm9 =	veq.s32 v41, v2;
	v53 =	vsel vm1, $0x1, v1;
	vm0 =	vmor vm12, vm11;
	[tilespmem:s19+$0x0] =	vst v52  }
0x156: {  	vm13 =	vgt.s32 v3, $0x0;
	vm15 =	vlt.s32 v3, v2;
	s4 =	sshll.u32 s4, $0x6;
	v4 =	vld.idx.msk [tilespmem:v51+s18+$0x0], $0xffff;
	v59 =	vsel vm0, $0x1, v1;
	[tilespmem:s9+$0xB420] =	vst v53  }
0x157: {  	s1 =	sor.u32 $0x180, s1;
	v55 =	vsel vm9, $0x1, v1;
	vm2 =	vmand vm13, vm15;
	s4 =	sadd.s32 s4, s30;
	[tilespmem:s11+$0x0] =	vst v59  }
0x158: {  	s13 =	sadd.s32 $0x10, s31;
	v60 =	vsel vm2, $0x1, v1;
	vm9 =	vne.s32 v45, v7;
	s19 =	sor.u32 $0x100, s4;
	[tilespmem:s1+$0xB420] =	vst v55  }
0x159: {  	s15 =	sand.u32 $0x3, s29;
	s14 =	sand.u32 $0x50, s13;
	vm14 =	veq.s32 v50, $0x0;
	v7 =	vsel vm9, $0x1, v1;
	[tilespmem:s19+$0xB420] =	vst v60  }
0x15a: {  	s16 =	sshll.u32 s15, $0x5;
	v58 =	vsel vm14, $0x1, v1;
	vm8 =	vlt.s32 v45, v2;
	vm10 =	veq.s32 v3, v2;
	s1 =	sor.u32 s14, s6;
	[tilespmem:s5+$0x0] =	vst v7  }
0x15b: {  	v61 =	vsel vm10, $0x1, v1;
	vm7 =	vgt.s32 v45, $0x0;
	vm11 =	vne.s32 v50, v4;
	s4 =	sor.u32 $0x180, s4;
	s6 =	sadd.s32 s30, s16;
	[tilespmem:s1+$0x80] =	vst v58  }
0x15c: {  	vm13 =	vgt.s32 v50, $0x0;
	vm0 =	vmand vm7, vm8;
	v62 =	vsel vm11, $0x1, v1;
	s24 =	sadd.s32 $0x20, s6;
	[tilespmem:s4+$0xB420] =	vst v61  }
0x15d: {  	vm14 =	vlt.s32 v50, v2;
	vm12 =	veq.s32 v45, v2;
	v3 =	vsel vm0, $0x1, v1;
	[tilespmem:s1+$0x0] =	vst v62;
	s29 =	sor.u32 $0x100, s24  }
0x15e: {  	s0 =	sadd.s32 $0x10, s0;
	vm1 =	vmand vm13, vm14;
	s2 =	sor.u32 $0x180, s24;
	[tilespmem:s29+$0xB420] =	vst v3;
	v3 =	vsel vm12, $0x1, v1  }
.Ltmp6:
0x15f: {  	vm15 =	veq.s32 v50, v2;
	s30 =	sor.u32 $0x100, s0;
	[tilespmem:s2+$0xB420] =	vst v3;
	v3 =	vsel vm1, $0x1, v1;
	(pc) =	sbr.rel @p1 .LBB2_13-.Ltmp6, $4  }
0x160: {  	v63 =	vsel vm15, $0x1, v1;
	s0 =	sor.u32 $0x180, s0;
	[tilespmem:s30+$0xB420] =	vst v3  }
0x161: {  	[tilespmem:s0+$0xB420] =	vst v63  }
0x162: {  	s31 =	simm.s32 $0xB420;
	s0 =	rddreg [dreg:$0x11]  }
0x163: {  	[hbm4b:s0+s3] =	stream.linear.scatter [tilespmem:s31], [sflag:$0x4], $0x7800, $0x38;
	[tilespmem:$0x12C30] =	vst v63  }
0x164: {  	_ =	swait.ge [sflag:s21], $0x1E10  }
0x165: {  	[sflag:s21] =	ssyncset.done $0x0  }
0x166: {  	s0 =	simm.s32 $0xF;
	[sflag:s21] =	ssyncadd.s32 $0xFFFFE1F0  }
0x167: {  	v3 =	vadd.s32 s0, v0;
	_ =	swait.ge [sflag:s25], $0x7800  }
0x168: {  	[sflag:s25] =	ssyncset.done $0x0  }
0x169: {  	s19 =	simm.s32 $0x0;
	[sflag:s25] =	ssyncadd.s32 $0xFFFF8800  }
0x16a: {  	s2 =	simm.s32 $0x1F;
	v4 =	vld [tilespmem:s19+$0x30]  }
0x16b: {  	v7 =	vadd.s32 s2, v0;
	v10 =	vld [tilespmem:s19+$0x40]  }
0x16c: {  	s1 =	simm.s32 $0x3F;
	v8 =	vld.idx.msk [tilespmem:v3+s3+$0x0], $0xffff  }
0x16d: {  	v6 =	vadd.s32 s1, v0;
	v5 =	vld [tilespmem:s19+$0x10]  }
0x16e: {  	s24 =	rddreg [dreg:$0x7];
	v3 =	vld [tilespmem:s19+$0x20]  }
0x16f: {  	s5 =	simm.s32 $0x2F;
	s2 =	sadd.s32 $0x0, s24  }
0x170: {  	v11 =	vadd.s32 s5, v0;
	v13 =	vld.idx.msk [tilespmem:v7+s3+$0x0], $0xffff;
	v7 =	vmov s2  }
0x171: {  	p4 =	por $0x0, $0x0;
	s4 =	simm.s32 $0x4;
	s15 =	simm.s32 $0x20;
	vm5 =	veq.s32 v7, v0;
	vm0 =	vgt.s32 v4, $0x0;
	vm1 =	vlt.s32 v4, v2  }
0x172: {  	s29 =	simm.s32 $0x2;
	s31 =	simm.s32 $0x40;
	s7 =	simm.s32 $0x30;
	v12 =	vld.idx.msk [tilespmem:v6+s3+$0x0], $0xffff;
	vm3 =	veq.s32 v4, $0x0;
	vm2 =	veq.s32 v10, v2;
	vm4 =	vgt.s32 v10, $0x0  }
0x173: {  	s30 =	simm.s32 $0x100;
	s1 =	simm.s32 $0x0;
	s0 =	simm.s32 $0x1;
	vm6 =	vlt.s32 v10, v2;
	vm8 =	veq.s32 v5, $0x0;
	vm7 =	veq.s32 v3, $0x0  }
0x174: {  	s7 =	sand.u32 $0x70, s7;
	s0 =	simm.s32 @!p4 $0x0;
	s5 =	sand.u32 $0x3, s1;
	vm9 =	vlt.s32 v5, v2;
	vm0 =	vmand vm0, vm1;
	v6 =	vsel vm3, $0x1, v1  }
0x175: {  	p4 =	por !p4, !p4;
	s6 =	sand.u32 $0x7E00, s1;
	s8 =	sand.u32 $0x7, s1;
	vm1 =	veq.s32 v10, $0x0;
	vm3 =	vne.s32 v5, v8;
	v8 =	vsel vm8, $0x1, v1  }
0x176: {  	s16 =	sand.u32 $0x40, s1;
	s24 =	sadd.s32 $0x3C20, s6;
	s6 =	sshll.u32 s8, $0x4;
	vm8 =	vmand vm4, vm6;
	v9 =	vsel vm1, $0x1, v1;
	vm1 =	vgt.s32 v5, $0x0  }
0x177: {  	s2 =	simm.s32 $0x4;
	s8 =	sadd.s32 s7, s24;
	s19 =	simm.s32 $0x0;
	v7 =	vld.idx.msk [tilespmem:v11+s3+$0x0], $0xffff;
	vm4 =	vmand vm1, vm9;
	vm1 =	vne.s32 v3, v13;
	vm9 =	vne.s32 v10, v12  }
.LBB2_11:
0x178: {  	s4 =	sadd.s32 $0x4, s4;
	s7 =	sadd.s32 $0xF, s31;
	s9 =	sadd.s32 s6, s1  }
0x179: {  	s6 =	smov.u32 s2;
	s13 =	sadd.s32 $0x1F, s31;
	s10 =	sadd.s32 $0x2F, s31  }
0x17a: {  	vm6 =	veq.s32 v5, v2;
	[tilespmem:s8+$0x80] =	vst v9;
	v11 =	vsel vm9, $0x1, v1;
	s14 =	sadd.s32 $0x3F, s31;
	s0 =	sshll.u32 s0, $0x6;
	s5 =	sshll.u32 s5, $0x5  }
0x17b: {  	vm10 =	vgt.s32 v3, $0x0;
	v9 =	vadd.s32 s7, v0;
	s11 =	sadd.s32 $0x30, s9;
	v13 =	vadd.s32 s10, v0;
	s7 =	sadd.s32 $0x10, s9;
	[tilespmem:s8+$0x0] =	vst v11;
	s10 =	sor.u32 s16, s24  }
0x17c: {  	v5 =	vsel vm8, $0x1, v1;
	v10 =	vsel vm0, $0x1, v1;
	v12 =	vadd.s32 s13, v0;
	s9 =	sshra.s32 s30, $0x2;
	s16 =	sadd.s32 $0x10, s19;
	s13 =	sor.u32 $0x100, s11;
	[tilespmem:s10+$0x80] =	vst v8  }
0x17d: {  	vm0 =	vlt.s32 v3, v2;
	v14 =	vsel vm2, $0x1, v1;
	s2 =	sadd.s32 $0x4, s2;
	v11 =	vadd.s32 s14, v0;
	s14 =	sor.u32 $0x180, s11;
	v15 =	vld [tilespmem:s9+$0x30];
	s19 =	sand.u32 $0x50, s16;
	[tilespmem:s13+$0x3C20] =	vst v5  }
0x17e: {  	p5 =	slt.u32 s4, $0x1DC;
	vm8 =	vmand vm10, vm0;
	vm0 =	veq.s32 v3, v2;
	v3 =	vld [tilespmem:s9+$0x20];
	v5 =	vsel vm7, $0x1, v1;
	s13 =	sand.u32 $0x60, s15;
	s8 =	sor.u32 s19, s24;
	[tilespmem:s14+$0x3C20] =	vst v14  }
0x17f: {  	vm2 =	veq.s32 v4, v2;
	s6 =	sand.u32 $0x7, s6;
	s16 =	sadd.s32 s0, s1;
	v16 =	vsel vm0, $0x1, v1;
	vm0 =	vne.s32 v4, v7;
	s11 =	sadd.s32 s13, s24;
	[tilespmem:s8+$0x80] =	vst v5;
	v5 =	vld [tilespmem:s9+$0x10]  }
0x180: {  	vm3 =	vmor vm5, vm3;
	v18 =	vsel vm1, $0x1, v1;
	s6 =	sshll.u32 s6, $0x4;
	s15 =	sadd.s32 s1, s5;
	s14 =	simm.s32 $0x1;
	v14 =	vld [tilespmem:s9+$0x40];
	[tilespmem:s11+$0x80] =	vst v6;
	v6 =	vsel vm0, $0x1, v1  }
0x181: {  	v17 =	vsel vm2, $0x1, v1;
	v7 =	vsel vm4, $0x1, v1;
	s19 =	sor.u32 $0x100, s16;
	s13 =	sand.u32 $0x3, s29;
	s14 =	simm.s32 @!p4 $0x0;
	v8 =	vld.idx.msk [tilespmem:v9+s3+$0x0], $0xffff;
	v9 =	vsel vm3, $0x1, v1;
	[tilespmem:s11+$0x0] =	vst v6  }
0x182: {  	v63 =	vsel vm8, $0x1, v1;
	s24 =	sadd.s32 $0x20, s15;
	s0 =	smov.u32 s14;
	s14 =	rddreg [dreg:$0x7];
	v11 =	vld.idx.msk [tilespmem:v11+s3+$0x0], $0xffff;
	[tilespmem:s10+$0x0] =	vst v9;
	vm1 =	veq.s32 v15, $0x0;
	vm0 =	vgt.s32 v15, $0x0  }
0x183: {  	s5 =	smov.u32 s13;
	s13 =	sor.u32 $0x100, s24;
	v12 =	vld.idx.msk [tilespmem:v12+s3+$0x0], $0xffff;
	vm2 =	vlt.s32 v15, v2;
	s9 =	sadd.s32 s31, s14;
	v9 =	vsel vm6, $0x1, v1;
	vm7 =	veq.s32 v3, $0x0;
	[tilespmem:s19+$0x3C20] =	vst v7  }
0x184: {  	s1 =	smov.u32 s30;
	s15 =	sadd.s32 $0x20, s31;
	s29 =	sadd.s32 $0x2, s29;
	vm0 =	vmand vm0, vm2;
	v7 =	vld.idx.msk [tilespmem:v13+s3+$0x0], $0xffff;
	v6 =	vsel vm1, $0x1, v1;
	[tilespmem:s13+$0x3C20] =	vst v10;
	v10 =	vmov s9  }
.Ltmp7:
0x185: {  	p4 =	por !p4, !p4;
	[tilespmem:s8+$0x0] =	vst v18;
	s10 =	sor.u32 $0x100, s7;
	vm8 =	veq.s32 v5, $0x0;
	vm5 =	veq.s32 v10, v0;
	vm9 =	vlt.s32 v5, v2;
	(pc) =	sbr.rel @p5 .LBB2_11-.Ltmp7, $4  }
0x186: {  	s24 =	sor.u32 $0x180, s24;
	s14 =	sor.u32 $0x180, s16;
	s19 =	smov.u32 s31;
	[tilespmem:s10+$0x3C20] =	vst v63;
	vm2 =	veq.s32 v14, v2;
	vm1 =	veq.s32 v14, $0x0;
	vm4 =	vgt.s32 v14, $0x0  }
0x187: {  	s11 =	sand.u32 $0x7E00, s30;
	s30 =	sadd.s32 $0x100, s30;
	[tilespmem:s14+$0x3C20] =	vst v9;
	s13 =	sadd.s32 $0x30, s19;
	vm6 =	vlt.s32 v14, v2;
	vm3 =	vne.s32 v5, v8;
	v9 =	vsel vm1, $0x1, v1  }
0x188: {  	s7 =	sor.u32 $0x180, s7;
	[tilespmem:s24+$0x3C20] =	vst v17;
	s24 =	sadd.s32 $0x3C20, s11;
	s14 =	sand.u32 $0x70, s13;
	vm1 =	vgt.s32 v5, $0x0;
	v8 =	vsel vm8, $0x1, v1;
	vm8 =	vmand vm4, vm6  }
0x189: {  	v4 =	vmovc v15;
	s16 =	sand.u32 $0x40, s31;
	s31 =	sadd.s32 $0x40, s31;
	[tilespmem:s7+$0x3C20] =	vst v16;
	s8 =	sadd.s32 s14, s24;
	vm4 =	vmand vm1, vm9;
	vm1 =	vne.s32 v3, v12;
	vm9 =	vne.s32 v14, v11  }
0x18a: {  	[tilespmem:s8+$0x80] =	vst v9;
	v32 =	vsel vm9, $0x1, v1  }
0x18b: {  	s14 =	sor.u32 s16, s24;
	s9 =	sand.u32 $0x60, s15;
	[tilespmem:s8+$0x0] =	vst v32  }
0x18c: {  	v10 =	vsel vm8, $0x1, v1;
	vm8 =	vmor vm5, vm3;
	[tilespmem:s14+$0x80] =	vst v8;
	s9 =	sadd.s32 s9, s24  }
0x18d: {  	s4 =	sadd.s32 s6, s1;
	vm9 =	vne.s32 v4, v7;
	v36 =	vsel vm8, $0x1, v1;
	[tilespmem:s9+$0x80] =	vst v6  }
0x18e: {  	s16 =	sadd.s32 $0x10, s19;
	s6 =	sadd.s32 $0x30, s4;
	v38 =	vsel vm9, $0x1, v1;
	[tilespmem:s14+$0x0] =	vst v36  }
0x18f: {  	s0 =	sshll.u32 s0, $0x6;
	s8 =	sand.u32 $0x50, s16;
	s7 =	sor.u32 $0x100, s6;
	[tilespmem:s9+$0x0] =	vst v38  }
0x190: {  	s19 =	sadd.s32 $0x3F, s31;
	v35 =	vsel vm7, $0x1, v1;
	s0 =	sadd.s32 s0, s1;
	s8 =	sor.u32 s8, s24;
	[tilespmem:s7+$0x3C20] =	vst v10  }
0x191: {  	s5 =	sshll.u32 s5, $0x5;
	v37 =	vsel vm4, $0x1, v1;
	s11 =	sadd.s32 $0x2F, s31;
	v34 =	vadd.s32 s19, v0;
	s16 =	sor.u32 $0x100, s0;
	[tilespmem:s8+$0x80] =	vst v35  }
0x192: {  	v33 =	vsel vm2, $0x1, v1;
	v46 =	vsel vm1, $0x1, v1;
	s15 =	sadd.s32 s1, s5;
	v47 =	vadd.s32 s11, v0;
	s24 =	sshra.s32 s30, $0x2;
	[tilespmem:s16+$0x3C20] =	vst v37  }
0x193: {  	vm10 =	veq.s32 v5, v2;
	v40 =	vsel vm0, $0x1, v1;
	vm12 =	vgt.s32 v3, $0x0;
	s19 =	sadd.s32 $0xF, s31;
	s6 =	sor.u32 $0x180, s6;
	s1 =	sadd.s32 $0x20, s15;
	v41 =	vld [tilespmem:s24+$0x40];
	[tilespmem:s8+$0x0] =	vst v46  }
0x194: {  	vm13 =	vlt.s32 v3, v2;
	vm15 =	veq.s32 v3, v2;
	v39 =	vadd.s32 s19, v0;
	s7 =	sor.u32 $0x100, s1;
	v3 =	vld [tilespmem:s24+$0x10];
	[tilespmem:s6+$0x3C20] =	vst v33  }
0x195: {  	v43 =	vsel vm10, $0x1, v1;
	s4 =	sadd.s32 $0x10, s4;
	vm14 =	vmand vm12, vm13;
	s0 =	sor.u32 $0x180, s0;
	v45 =	vld [tilespmem:s24+$0x30];
	[tilespmem:s7+$0x3C20] =	vst v40  }
0x196: {  	vm11 =	veq.s32 v4, v2;
	s2 =	sand.u32 $0x7, s2;
	s9 =	sadd.s32 $0x1F, s31;
	s13 =	sor.u32 $0x100, s4;
	v48 =	vsel vm14, $0x1, v1;
	[tilespmem:s0+$0x3C20] =	vst v43;
	v42 =	vld.idx.msk [tilespmem:v34+s3+$0x0], $0xffff  }
0x197: {  	v44 =	vsel vm11, $0x1, v1;
	s14 =	sand.u32 $0x7E00, s30;
	s15 =	sadd.s32 $0x30, s31;
	s10 =	sor.u32 $0x180, s1;
	[tilespmem:s13+$0x3C20] =	vst v48;
	v7 =	vld.idx.msk [tilespmem:v47+s3+$0x0], $0xffff  }
0x198: {  	v49 =	vsel vm15, $0x1, v1;
	s4 =	sor.u32 $0x180, s4;
	s16 =	sand.u32 $0x70, s15;
	v51 =	vadd.s32 s9, v0;
	s6 =	sadd.s32 $0x3C20, s14;
	[tilespmem:s10+$0x3C20] =	vst v44;
	vm4 =	veq.s32 v41, $0x0  }
0x199: {  	s11 =	sand.u32 $0x40, s31;
	s9 =	sadd.s32 $0x20, s31;
	s8 =	sadd.s32 s16, s6;
	[tilespmem:s4+$0x3C20] =	vst v49;
	v5 =	vld.idx.msk [tilespmem:v39+s3+$0x0], $0xffff;
	vm5 =	vgt.s32 v41, $0x0;
	vm10 =	veq.s32 v3, $0x0;
	v11 =	vsel vm4, $0x1, v1  }
0x19a: {  	v50 =	vld [tilespmem:s24+$0x20];
	s24 =	rddreg [dreg:$0x7];
	s5 =	sand.u32 $0x60, s9;
	s13 =	sor.u32 s11, s6;
	vm6 =	vlt.s32 v41, v2;
	vm8 =	veq.s32 v45, $0x0;
	v57 =	vsel vm10, $0x1, v1;
	[tilespmem:s8+$0x80] =	vst v11  }
0x19b: {  	s19 =	sshll.u32 s2, $0x4;
	s5 =	sadd.s32 s5, s6;
	vm9 =	veq.s32 v41, v2;
	v54 =	vsel vm8, $0x1, v1;
	[tilespmem:s13+$0x80] =	vst v57;
	vm7 =	vne.s32 v41, v42  }
0x19c: {  	s0 =	sadd.s32 s19, s30;
	s2 =	sadd.s32 s31, s24;
	v55 =	vsel vm9, $0x1, v1;
	[tilespmem:s5+$0x80] =	vst v54;
	vm9 =	vne.s32 v45, v7;
	v52 =	vsel vm7, $0x1, v1  }
0x19d: {  	s1 =	sadd.s32 $0x30, s0;
	v56 =	vmov s2;
	v4 =	vld.idx.msk [tilespmem:v51+s3+$0x0], $0xffff;
	vm1 =	vmand vm5, vm6;
	v7 =	vsel vm9, $0x1, v1;
	[tilespmem:s8+$0x0] =	vst v52  }
0x19e: {  	s4 =	simm.s32 $0x1;
	s10 =	sor.u32 $0x100, s1;
	vm12 =	veq.s32 v56, v0;
	v53 =	vsel vm1, $0x1, v1;
	vm11 =	vne.s32 v3, v5;
	[tilespmem:s5+$0x0] =	vst v7  }
0x19f: {  	s14 =	sadd.s32 $0x10, s31;
	s1 =	sor.u32 $0x180, s1;
	s4 =	simm.s32 @!p4 $0x0;
	vm13 =	vgt.s32 v3, $0x0;
	vm0 =	vmor vm12, vm11;
	[tilespmem:s10+$0x3C20] =	vst v53  }
0x1a0: {  	s15 =	sand.u32 $0x50, s14;
	s4 =	sshll.u32 s4, $0x6;
	vm14 =	veq.s32 v50, $0x0;
	vm15 =	vlt.s32 v3, v2;
	v59 =	vsel vm0, $0x1, v1;
	[tilespmem:s1+$0x3C20] =	vst v55  }
0x1a1: {  	s16 =	sand.u32 $0x3, s29;
	s4 =	sadd.s32 s4, s30;
	v58 =	vsel vm14, $0x1, v1;
	vm2 =	vmand vm13, vm15;
	s1 =	sor.u32 s15, s6;
	[tilespmem:s13+$0x0] =	vst v59  }
0x1a2: {  	s19 =	sshll.u32 s16, $0x5;
	vm8 =	vlt.s32 v45, v2;
	s24 =	sor.u32 $0x100, s4;
	v60 =	vsel vm2, $0x1, v1;
	vm11 =	vne.s32 v50, v4;
	[tilespmem:s1+$0x80] =	vst v58  }
0x1a3: {  	vm10 =	veq.s32 v3, v2;
	vm7 =	vgt.s32 v45, $0x0;
	v62 =	vsel vm11, $0x1, v1;
	s6 =	sadd.s32 s30, s19;
	[tilespmem:s24+$0x3C20] =	vst v60  }
0x1a4: {  	s4 =	sor.u32 $0x180, s4;
	vm13 =	vgt.s32 v50, $0x0;
	v61 =	vsel vm10, $0x1, v1;
	vm0 =	vmand vm7, vm8;
	s29 =	sadd.s32 $0x20, s6;
	[tilespmem:s1+$0x0] =	vst v62  }
0x1a5: {  	vm14 =	vlt.s32 v50, v2;
	vm12 =	veq.s32 v45, v2;
	v3 =	vsel vm0, $0x1, v1;
	s30 =	sor.u32 $0x100, s29;
	[tilespmem:s4+$0x3C20] =	vst v61  }
0x1a6: {  	s0 =	sadd.s32 $0x10, s0;
	vm1 =	vmand vm13, vm14;
	s2 =	sor.u32 $0x180, s29;
	[tilespmem:s30+$0x3C20] =	vst v3;
	v3 =	vsel vm12, $0x1, v1  }
0x1a7: {  	s31 =	sor.u32 $0x100, s0;
	vm15 =	veq.s32 v50, v2;
	[tilespmem:s2+$0x3C20] =	vst v3;
	v3 =	vsel vm1, $0x1, v1  }
0x1a8: {  	s0 =	sor.u32 $0x180, s0;
	v63 =	vsel vm15, $0x1, v1;
	[tilespmem:s31+$0x3C20] =	vst v3  }
0x1a9: {  	[tilespmem:s0+$0x3C20] =	vst v63  }
0x1aa: {  	s0 =	rddreg [dreg:$0x12]  }
0x1ab: {  	[hbm4b:s0+s3] =	stream.linear.scatter [tilespmem:s22], [sflag:$0x3], $0x7800, $0x38;
	[tilespmem:$0x12C30] =	vst v63  }
.LBB2_13:
.Ltmp8:
0x1ac: {  	(pc) =	sbr.rel @p2 .LBB2_17-.Ltmp8, $1  }
0x1ad: {  	_ =	sdelay $0x3  }
0x1ae: {  	_ =	swait.ge [sflag:s21], $0x650;
	s0 =	simm.s32 $0x3F  }
0x1af: {  	[sflag:s21] =	ssyncset.done $0x0;
	v3 =	vadd.s32 s0, v0  }
0x1b0: {  	[sflag:s21] =	ssyncadd.s32 $0xFFFFF9B0  }
0x1b1: {  	_ =	swait.ge [sflag:s25], $0x7800  }
0x1b2: {  	[sflag:s25] =	ssyncset.done $0x0  }
0x1b3: {  	[sflag:s25] =	ssyncadd.s32 $0xFFFF8800  }
0x1b4: {  	s2 =	simm.s32 $0x0;
	v6 =	vld.idx.msk [tilespmem:v3+s3+$0x0], $0xffff  }
0x1b5: {  	v3 =	vld [tilespmem:s2+$0x20]  }
0x1b6: {  	s4 =	simm.s32 $0xF;
	v5 =	vld [tilespmem:s2+$0x10]  }
0x1b7: {  	p4 =	por $0x0, $0x0;
	s6 =	simm.s32 $0x1F;
	v7 =	vadd.s32 s4, v0;
	v11 =	vld [tilespmem:s2+$0x40]  }
0x1b8: {  	s5 =	simm.s32 $0x2F;
	s1 =	simm.s32 $0x0;
	s7 =	simm.s32 $0x0;
	v8 =	vadd.s32 s6, v0;
	v4 =	vld [tilespmem:s2+$0x30]  }
0x1b9: {  	s9 =	simm.s32 $0x30;
	s24 =	simm.s32 $0x10;
	s11 =	simm.s32 $0x20  }
0x1ba: {  	s15 =	simm.s32 $0x0;
	s0 =	simm.s32 $0x0;
	p5 =	por p4, p4;
	v10 =	vadd.s32 s5, v0  }
0x1bb: {  	p4 =	por !p4, !p4;
	s4 =	simm.s32 $0x2;
	s8 =	sand.u32 $0x1E00, s0;
	vm4 =	veq.s32 v3, $0x0;
	vm0 =	vgt.s32 v3, $0x0;
	vm1 =	vlt.s32 v3, v2  }
0x1bc: {  	s5 =	simm.s32 $0x100;
	s7 =	sand.u32 $0x40, s7;
	s10 =	sadd.s32 $0x3C20, s8;
	v7 =	vld.idx.msk [tilespmem:v7+s3+$0x0], $0xffff;
	vm5 =	veq.s32 v5, $0x0;
	vm2 =	vgt.s32 v5, $0x0;
	vm3 =	vlt.s32 v5, v2  }
0x1bd: {  	s30 =	sand.u32 $0x50, s24;
	s16 =	sand.u32 $0x7, s0;
	s19 =	sor.u32 s7, s10;
	v8 =	vld.idx.msk [tilespmem:v8+s3+$0x0], $0xffff;
	vm6 =	veq.s32 v11, $0x0;
	vm7 =	veq.s32 v4, $0x0;
	v9 =	vsel vm5, $0x1, v1  }
0x1be: {  	s29 =	sand.u32 $0x70, s9;
	s6 =	sshll.u32 s16, $0x4;
	s7 =	sor.u32 s30, s10;
	vm5 =	vne.s32 v11, v6;
	v12 =	vsel vm4, $0x1, v1;
	vm4 =	vgt.s32 v11, $0x0;
	[tilespmem:s19+$0x80] =	vst v9  }
0x1bf: {  	s31 =	sand.u32 $0x60, s11;
	s8 =	sadd.s32 s29, s10;
	s16 =	sadd.s32 $0x0, s6;
	v6 =	vsel vm5, $0x1, v1;
	v9 =	vsel vm6, $0x1, v1;
	vm5 =	vlt.s32 v11, v2;
	[tilespmem:s7+$0x80] =	vst v12  }
0x1c0: {  	s24 =	sadd.s32 s31, s10;
	s6 =	simm.s32 $0x7F;
	s2 =	simm.s32 $0x4;
	[tilespmem:s8+$0x0] =	vst v6;
	v6 =	vld.idx.msk [tilespmem:v10+s3+$0x0], $0xffff;
	v10 =	vsel vm7, $0x1, v1;
	vm5 =	vmand vm4, vm5;
	vm4 =	veq.s32 v11, v2  }
.LBB2_15:
0x1c1: {  	s9 =	sadd.s32 $0xFFFFFFF0, s6;
	v11 =	vadd.s32 s6, v0  }
0x1c2: {  	s1 =	sadd.s32 $0x4, s1;
	vm6 =	vne.s32 v5, v7;
	[tilespmem:s24+$0x80] =	vst v10;
	v7 =	vsel vm5, $0x1, v1;
	s10 =	sadd.s32 $0x30, s16;
	s11 =	sadd.s32 $0xFFFFFFD0, s6;
	vm5 =	vne.s32 v3, v8  }
0x1c3: {  	s13 =	sadd.s32 $0xFFFFFFE0, s6;
	v8 =	vsel vm4, $0x1, v1;
	v10 =	vsel vm6, $0x1, v1;
	[tilespmem:s8+$0x80] =	vst v9;
	s8 =	sor.u32 $0x100, s10;
	v13 =	vadd.s32 s9, v0;
	s9 =	simm.s32 $0x1  }
0x1c4: {  	v9 =	vadd.s32 s11, v0;
	v12 =	vadd.s32 s13, v0;
	p6 =	slt.u32 s1, $0x60;
	s9 =	simm.s32 @!p5 $0x0;
	[tilespmem:s8+$0x3C20] =	vst v7;
	s8 =	sor.u32 $0x180, s10  }
0x1c5: {  	s0 =	sand.u32 $0x3, s0;
	vm2 =	vmand vm2, vm3;
	vm4 =	vne.s32 v4, v6;
	v7 =	vsel vm5, $0x1, v1;
	s9 =	sshll.u32 s9, $0x6;
	[tilespmem:s8+$0x3C20] =	vst v8;
	s8 =	smov.u32 s2  }
0x1c6: {  	vm3 =	veq.s32 v5, v2;
	vm6 =	vlt.s32 v4, v2;
	s10 =	sshll.u32 s0, $0x5;
	vm5 =	vgt.s32 v4, $0x0;
	s0 =	smov.u32 s4;
	[tilespmem:s19+$0x0] =	vst v10;
	s9 =	sadd.s32 s9, s15  }
0x1c7: {  	s11 =	sshra.s32 s5, $0x2;
	v5 =	vsel vm2, $0x1, v1;
	vm2 =	veq.s32 v4, v2;
	s10 =	sadd.s32 s15, s10;
	vm5 =	vmand vm5, vm6;
	v10 =	vld.idx.msk [tilespmem:v11+s3+$0x0], $0xffff;
	s13 =	sor.u32 $0x100, s9;
	[tilespmem:s7+$0x0] =	vst v7  }
0x1c8: {  	vm0 =	vmand vm0, vm1;
	vm1 =	veq.s32 v3, v2;
	v4 =	vsel vm4, $0x1, v1;
	p5 =	por p4, p4;
	s15 =	smov.u32 s5;
	s7 =	sadd.s32 $0x20, s10;
	[tilespmem:s13+$0x3C20] =	vst v5;
	v3 =	vld [tilespmem:s11+$0x20]  }
0x1c9: {  	v6 =	vsel vm5, $0x1, v1;
	s10 =	sor.u32 $0x100, s7;
	s7 =	sor.u32 $0x180, s7;
	v5 =	vld [tilespmem:s11+$0x10];
	[tilespmem:s24+$0x0] =	vst v4  }
0x1ca: {  	p4 =	por !p4, !p4;
	v7 =	vsel vm3, $0x1, v1;
	s9 =	sor.u32 $0x180, s9;
	s13 =	sadd.s32 $0x10, s16;
	v11 =	vld [tilespmem:s11+$0x40];
	[tilespmem:s10+$0x3C20] =	vst v6  }
0x1cb: {  	s4 =	sadd.s32 $0x2, s4;
	s2 =	sadd.s32 $0x4, s2;
	v4 =	vld [tilespmem:s11+$0x30];
	[tilespmem:s9+$0x3C20] =	vst v7;
	v7 =	vsel vm0, $0x1, v1;
	s9 =	sor.u32 $0x100, s13  }
0x1cc: {  	v8 =	vsel vm2, $0x1, v1;
	s5 =	sadd.s32 $0x100, s5;
	s10 =	sand.u32 $0x7, s8;
	s8 =	sor.u32 $0x180, s13;
	v6 =	vld.idx.msk [tilespmem:v13+s3+$0x0], $0xffff;
	v13 =	vsel vm1, $0x1, v1;
	[tilespmem:s9+$0x3C20] =	vst v7  }
0x1cd: {  	s11 =	sand.u32 $0x1E00, s15;
	s13 =	sadd.s32 $0xFFFFFFF1, s6;
	s9 =	sadd.s32 $0xFFFFFFC1, s6;
	v7 =	vld.idx.msk [tilespmem:v9+s3+$0x0], $0xffff;
	vm4 =	veq.s32 v3, $0x0;
	vm0 =	vgt.s32 v3, $0x0;
	vm1 =	vlt.s32 v3, v2;
	[tilespmem:s7+$0x3C20] =	vst v8  }
.Ltmp9:
0x1ce: {  	s7 =	sand.u32 $0x40, s9;
	s9 =	sadd.s32 $0x3C20, s11;
	vm5 =	veq.s32 v5, $0x0;
	vm2 =	vgt.s32 v5, $0x0;
	vm3 =	vlt.s32 v5, v2;
	v8 =	vld.idx.msk [tilespmem:v12+s3+$0x0], $0xffff;
	[tilespmem:s8+$0x3C20] =	vst v13;
	(pc) =	sbr.rel @p6 .LBB2_15-.Ltmp9, $4  }
0x1cf: {  	s19 =	sor.u32 s7, s9;
	s7 =	sadd.s32 $0xFFFFFFD1, s6;
	s8 =	sand.u32 $0x70, s13;
	v9 =	vsel vm5, $0x1, v1;
	vm5 =	vne.s32 v11, v10;
	vm6 =	veq.s32 v11, $0x0  }
0x1d0: {  	s11 =	sadd.s32 $0xFFFFFFE1, s6;
	s7 =	sand.u32 $0x50, s7;
	s8 =	sadd.s32 s8, s9;
	[tilespmem:s19+$0x80] =	vst v9;
	vm7 =	veq.s32 v4, $0x0;
	v10 =	vsel vm5, $0x1, v1;
	v9 =	vsel vm6, $0x1, v1  }
0x1d1: {  	s10 =	sshll.u32 s10, $0x4;
	v12 =	vsel vm4, $0x1, v1;
	s11 =	sand.u32 $0x60, s11;
	vm4 =	vgt.s32 v11, $0x0;
	s7 =	sor.u32 s7, s9;
	vm5 =	vlt.s32 v11, v2;
	[tilespmem:s8+$0x0] =	vst v10  }
0x1d2: {  	s16 =	sadd.s32 s10, s15;
	s6 =	sadd.s32 $0x40, s6;
	s24 =	sadd.s32 s11, s9;
	v10 =	vsel vm7, $0x1, v1;
	vm5 =	vmand vm4, vm5;
	vm4 =	veq.s32 v11, v2;
	[tilespmem:s7+$0x80] =	vst v12  }
.Ltmp10:
0x1d3: {  	_ = 	snop;
	(pc) =	sbr.rel .LBB2_16-.Ltmp10, $1  }
0x1d4: {  	_ =	sdelay $0x3  }
.LBB2_18:
0x1d5: {  	_ =	sfence.sel $0x180000  }
0x1d6: {  	[bflag:$0x0] =	sbarrier.arrive $0xFFFF  }
0x1d7: {  	_ =	strace $0x90000047  }
0x1d8: {  	[bflag:$0x2] =	sbarrier.arrive $0xFFFF  }
0x1d9: {  	s0 =	rddreg [dreg:$0x3]  }
0x1da: {  	s0 =	sadd.s32 @!p1 $0x100000, s0  }
0x1db: {  	[sflag:s0] =	ssyncadd.tile.s32 @!p1 $0x1;
	_ =	shalt  }
.Lfunc_end2:
_tile_overlayer_lowered:
.L_overlay_start_2:
0x1dc: {  	(tag) =	ssettag $0x2  }
0x1dd: {  	s0 =	rddreg [dreg:$0x0];
	s2 =	stileid.u32  }
0x1de: {  	s1 =	rddreg [dreg:$0x1];
	p0 =	sne.s32 s2, $0x0  }
0x1df: {  	s3 =	rddreg [dreg:$0x2];
	[bflag:$0x3] =	sbarrier.arrive $0xFFFF;
	s2 =	simm.s32 @!p0 $0x1C05  }
0x1e0: {  	[timem:s3], [sflag:s2] =	dma.local @!p0 [hbm:s0], s1  }
0x1e1: {  	s0 =	simm.s32 @!p0 $0x5  }
0x1e2: {  	_ =	swait.ge @!p0 [sflag:s0], s1  }
0x1e3: {  	s1 =	ssub.s32 @!p0 $0x0, s1;
	[sflag:s0] =	ssyncset.done @!p0 $0x0  }
0x1e4: {  	[sflag:s0] =	ssyncadd.s32 @!p0 s1  }
0x1e5: {  	[bflag:$0x3] =	sbarrier.arrive $0xFFFF  }
0x1e6: {  	_ =	shalt  }

</sc_bundles>
